<compile_context>
chip_gen: v7x
topology: tpu7x:2x2x1
jax: 0.10.2.dev20260603
libtpu: 0.0.44.dev20260713+nightly
codegen_flags: <defaults>
</compile_context>

<pallas_src>
import jax
import jax.numpy as jnp
from jax import lax
from jax.experimental import pallas as pl
from jax.experimental.pallas import tpu as pltpu
from jax.experimental.pallas import tpu_sc as plsc

_TOK0 = 28996
_TOK1 = 28998

_B = 16
_L = 4096
_NC = 2
_NS = 16
_LANES = 16
_GROUP = 256


def _body(ids_hbm, out0_hbm, out1_hbm, row_v, res0_v, res1_v, sem_in, sem_out):
    row = lax.axis_index("s")

    @pl.when(row < _B)
    def _():
        in_dma = pltpu.async_copy(ids_hbm.at[row], row_v, sem_in)

        neg1 = jnp.full((_LANES,), -1, jnp.int32)

        def fill(i, carry):
            for k in range(8):
                res0_v[pl.ds(i * 128 + k * _LANES, _LANES)] = neg1
                res1_v[pl.ds(i * 128 + k * _LANES, _LANES)] = neg1
            return carry

        lax.fori_loop(0, _L // 128, fill, 0)

        in_dma.wait()

        lane = lax.iota(jnp.int32, _LANES)
        nsub = _GROUP // _LANES

        def scan(g, carry):
            c0, c1 = carry
            base = g * _GROUP
            m0s, m1s = [], []
            anym = None
            for k in range(nsub):
                v = row_v[pl.ds(base + k * _LANES, _LANES)]
                m0 = v == _TOK0
                m1 = v == _TOK1
                m0s.append(m0)
                m1s.append(m1)
                both = m0 | m1
                anym = both if anym is None else (anym | both)

            def slow(cc):
                c0, c1 = cc
                for k in range(nsub):
                    idxv = lane + (base + k * _LANES)
                    mi0 = jnp.where(m0s[k], 1, 0)
                    pos0 = c0 + plsc.cumsum(mi0) - 1
                    plsc.store_scatter(res0_v, [pos0], idxv, mask=m0s[k])
                    c0 = c0 + jnp.sum(mi0)
                    mi1 = jnp.where(m1s[k], 1, 0)
                    pos1 = c1 + plsc.cumsum(mi1) - 1
                    plsc.store_scatter(res1_v, [pos1], idxv, mask=m1s[k])
                    c1 = c1 + jnp.sum(mi1)
                return (c0, c1)

            return lax.cond(jnp.any(anym), slow, lambda cc: cc, (c0, c1))

        lax.fori_loop(0, _L // _GROUP, scan, (0, 0))

        out_dma0 = pltpu.async_copy(res0_v, out0_hbm.at[row], sem_out)
        out_dma1 = pltpu.async_copy(res1_v, out1_hbm.at[row], sem_out)
        out_dma0.wait()
        out_dma1.wait()


@jax.jit
def kernel(input_ids):
    mesh = plsc.VectorSubcoreMesh(
        core_axis_name="c", subcore_axis_name="s", num_cores=1, num_subcores=_NS
    )
    f = pl.kernel(
        _body,
        out_type=(
            jax.ShapeDtypeStruct((_B, _L), jnp.int32),
            jax.ShapeDtypeStruct((_B, _L), jnp.int32),
        ),
        mesh=mesh,
        compiler_params=pltpu.CompilerParams(
            needs_layout_passes=False,
            disable_bounds_checks=True,
            disable_semaphore_checks=True,
            skip_device_barrier=True,
        ),
        scratch_types=[
            pltpu.VMEM((_L,), jnp.int32),
            pltpu.VMEM((_L,), jnp.int32),
            pltpu.VMEM((_L,), jnp.int32),
            pltpu.SemaphoreType.DMA,
            pltpu.SemaphoreType.DMA,
        ],
    )
    return f(input_ids)

# --- scband reference (transcript-rebuilt; emitter-appended) ---
"""Pipeline reference for scband-token-location-21921513078813 (READ-ONLY COPY).

The authoritative reference and input builder live on the scoring server;
editing this copy changes nothing except your own understanding.
"""

import jax, jax.numpy as jnp
import numpy as np

TOKENS = (28996, 28998)


def setup_inputs(seed: int = 0) -> dict:
    key = jax.random.key(seed)
    input_ids = jax.random.randint(key, (16, 4096), 0, 29000, dtype=jnp.int32)
    # Ensure the special tokens actually appear in every row, like markers in real data.
    k1, k2 = jax.random.split(jax.random.fold_in(key, 1))
    pos0 = jax.random.randint(k1, (16,), 0, 4096, dtype=jnp.int32)
    pos1 = jax.random.randint(k2, (16,), 0, 4096, dtype=jnp.int32)
    rows = jnp.arange(16)
    input_ids = input_ids.at[rows, pos0].set(TOKENS[0])
    input_ids = input_ids.at[rows, pos1].set(TOKENS[1])
    return {"input_ids": input_ids}


def reference(input_ids):
    # Faithful translation of TokenLocation.forward:
    # features['indexes'] = [[(row == token).nonzero()[0] for row in input_ids] for token in tokens]
    # Variable-length nonzero results are padded with -1 to seq_len for array semantics.
    L = input_ids.shape[1]

    def per_token(tok):
        def per_row(row):
            return jnp.nonzero(row == tok, size=L, fill_value=-1)[0]
        return jax.vmap(per_row)(input_ids)

    idx_tok0 = per_token(TOKENS[0])  # [B, L] positions of token 28996, padded with -1
    idx_tok1 = per_token(TOKENS[1])  # [B, L] positions of token 28998, padded with -1
    return (idx_tok0, idx_tok1)

if __name__ == "__main__":
    import jax
    _d = setup_inputs()
    print(jax.jit(kernel)(*tuple(_d.values())))

</pallas_src>

<mosaic_0001>
#map = affine_map<(d0, d1) -> (0, 0)>
module attributes {stable_mosaic.version = 14 : i64} {
  func.func @_body(%arg0: i32, %arg1: i32, %arg2: memref<16x4096xi32, #tpu.memory_space<hbm>>, %arg3: memref<16x4096xi32, #tpu.memory_space<hbm>>, %arg4: memref<16x4096xi32, #tpu.memory_space<hbm>>, %arg5: memref<4096xi32, #tpu.memory_space<vmem>>, %arg6: memref<4096xi32, #tpu.memory_space<vmem>>, %arg7: memref<4096xi32, #tpu.memory_space<vmem>>, %arg8: memref<!tpu.dma_semaphore, #tpu.memory_space<semaphore_mem>>, %arg9: memref<!tpu.dma_semaphore, #tpu.memory_space<semaphore_mem>>) attributes {dimension_semantics = [#tpu.dimension_semantics<core_parallel>, #tpu.dimension_semantics<subcore_parallel>], iteration_bounds = array<i64: 1, 16>, scalar_prefetch = 0 : i64, scratch_operands = 5 : i64, tpu.core_type = #tpu.core_type<sc_vector_subcore>, window_params = [{transform_indices = #map}, {transform_indices = #map}, {transform_indices = #map}]} {
    %lt3A = arith.constant 16 : i32
    %lt3A_0 = arith.cmpi slt, %arg1, %lt3A : i32
    %convert_element_type3A = arith.extui %lt3A_0 : i1 to i32
    %cond3A = arith.constant 0 : i32
    %cond3A_1 = arith.cmpi ne, %convert_element_type3A, %cond3A : i32
    scf.if %cond3A_1 {
      %dma_start3A = arith.constant 0 : i32
      %dma_start3A_2 = tpu.memref_slice %arg2[%arg1, %dma_start3A] : memref<16x4096xi32, #tpu.memory_space<hbm>> -> memref<1x4096xi32, #tpu.memory_space<hbm>>
      %dma_start3A_3 = tpu.memref_squeeze %dma_start3A_2 : memref<1x4096xi32, #tpu.memory_space<hbm>> -> memref<4096xi32, #tpu.memory_space<hbm>>
      %dma_start3A_4 = arith.constant 0 : i32
      %dma_start3A_5 = tpu.memref_slice %arg2[%arg1, %dma_start3A_4] : memref<16x4096xi32, #tpu.memory_space<hbm>> -> memref<1x4096xi32, #tpu.memory_space<hbm>>
      %dma_start3A_6 = tpu.memref_squeeze %dma_start3A_5 : memref<1x4096xi32, #tpu.memory_space<hbm>> -> memref<4096xi32, #tpu.memory_space<hbm>>
      tpu.enqueue_dma source(%dma_start3A_6 : memref<4096xi32, #tpu.memory_space<hbm>>) target(%arg5 : memref<4096xi32, #tpu.memory_space<vmem>>) target_semaphore(%arg8 : memref<!tpu.dma_semaphore, #tpu.memory_space<semaphore_mem>>)
      %broadcast_in_dim3A = arith.constant -1 : i32
      %broadcast_in_dim3A_7 = vector.broadcast %broadcast_in_dim3A : i32 to vector<16xi32>
      %scan3A = arith.constant 0 : i32
      %scan3A_8 = arith.constant 0 : i32
      %scan3A_9 = arith.constant 32 : i32
      %scan3A_10 = arith.addi %scan3A_8, %scan3A_9 : i32
      %scan3A_11 = arith.constant 1 : i32
      scf.for %scan3A_50 = %scan3A_8 to %scan3A_10 step %scan3A_11  : i32 {
        %mul3A = arith.constant 128 : i32
        %mul3A_51 = arith.muli %scan3A_50, %mul3A : i32
        %add3A = arith.constant 0 : i32
        %add3A_52 = arith.addi %mul3A_51, %add3A : i32
        %swap3A = arith.index_cast %add3A_52 : i32 to index
        %swap3A_53 = tpu.vector_load %arg6[%swap3A] {strides = array<i32>} : memref<4096xi32, #tpu.memory_space<vmem>>, vector<16xi32>,
        tpu.vector_store %arg6[%swap3A], %broadcast_in_dim3A_7 {strides = array<i32>} : memref<4096xi32, #tpu.memory_space<vmem>>, vector<16xi32>,
        %mul3A_54 = arith.constant 128 : i32
        %mul3A_55 = arith.muli %scan3A_50, %mul3A_54 : i32
        %add3A_56 = arith.constant 0 : i32
        %add3A_57 = arith.addi %mul3A_55, %add3A_56 : i32
        %swap3A_58 = arith.index_cast %add3A_57 : i32 to index
        %swap3A_59 = tpu.vector_load %arg7[%swap3A_58] {strides = array<i32>} : memref<4096xi32, #tpu.memory_space<vmem>>, vector<16xi32>,
        tpu.vector_store %arg7[%swap3A_58], %broadcast_in_dim3A_7 {strides = array<i32>} : memref<4096xi32, #tpu.memory_space<vmem>>, vector<16xi32>,
        %mul3A_60 = arith.constant 128 : i32
        %mul3A_61 = arith.muli %scan3A_50, %mul3A_60 : i32
        %add3A_62 = arith.constant 16 : i32
        %add3A_63 = arith.addi %mul3A_61, %add3A_62 : i32
        %swap3A_64 = arith.index_cast %add3A_63 : i32 to index
        %swap3A_65 = tpu.vector_load %arg6[%swap3A_64] {strides = array<i32>} : memref<4096xi32, #tpu.memory_space<vmem>>, vector<16xi32>,
        tpu.vector_store %arg6[%swap3A_64], %broadcast_in_dim3A_7 {strides = array<i32>} : memref<4096xi32, #tpu.memory_space<vmem>>, vector<16xi32>,
        %mul3A_66 = arith.constant 128 : i32
        %mul3A_67 = arith.muli %scan3A_50, %mul3A_66 : i32
        %add3A_68 = arith.constant 16 : i32
        %add3A_69 = arith.addi %mul3A_67, %add3A_68 : i32
        %swap3A_70 = arith.index_cast %add3A_69 : i32 to index
        %swap3A_71 = tpu.vector_load %arg7[%swap3A_70] {strides = array<i32>} : memref<4096xi32, #tpu.memory_space<vmem>>, vector<16xi32>,
        tpu.vector_store %arg7[%swap3A_70], %broadcast_in_dim3A_7 {strides = array<i32>} : memref<4096xi32, #tpu.memory_space<vmem>>, vector<16xi32>,
        %mul3A_72 = arith.constant 128 : i32
        %mul3A_73 = arith.muli %scan3A_50, %mul3A_72 : i32
        %add3A_74 = arith.constant 32 : i32
        %add3A_75 = arith.addi %mul3A_73, %add3A_74 : i32
        %swap3A_76 = arith.index_cast %add3A_75 : i32 to index
        %swap3A_77 = tpu.vector_load %arg6[%swap3A_76] {strides = array<i32>} : memref<4096xi32, #tpu.memory_space<vmem>>, vector<16xi32>,
        tpu.vector_store %arg6[%swap3A_76], %broadcast_in_dim3A_7 {strides = array<i32>} : memref<4096xi32, #tpu.memory_space<vmem>>, vector<16xi32>,
        %mul3A_78 = arith.constant 128 : i32
        %mul3A_79 = arith.muli %scan3A_50, %mul3A_78 : i32
        %add3A_80 = arith.constant 32 : i32
        %add3A_81 = arith.addi %mul3A_79, %add3A_80 : i32
        %swap3A_82 = arith.index_cast %add3A_81 : i32 to index
        %swap3A_83 = tpu.vector_load %arg7[%swap3A_82] {strides = array<i32>} : memref<4096xi32, #tpu.memory_space<vmem>>, vector<16xi32>,
        tpu.vector_store %arg7[%swap3A_82], %broadcast_in_dim3A_7 {strides = array<i32>} : memref<4096xi32, #tpu.memory_space<vmem>>, vector<16xi32>,
        %mul3A_84 = arith.constant 128 : i32
        %mul3A_85 = arith.muli %scan3A_50, %mul3A_84 : i32
        %add3A_86 = arith.constant 48 : i32
        %add3A_87 = arith.addi %mul3A_85, %add3A_86 : i32
        %swap3A_88 = arith.index_cast %add3A_87 : i32 to index
        %swap3A_89 = tpu.vector_load %arg6[%swap3A_88] {strides = array<i32>} : memref<4096xi32, #tpu.memory_space<vmem>>, vector<16xi32>,
        tpu.vector_store %arg6[%swap3A_88], %broadcast_in_dim3A_7 {strides = array<i32>} : memref<4096xi32, #tpu.memory_space<vmem>>, vector<16xi32>,
        %mul3A_90 = arith.constant 128 : i32
        %mul3A_91 = arith.muli %scan3A_50, %mul3A_90 : i32
        %add3A_92 = arith.constant 48 : i32
        %add3A_93 = arith.addi %mul3A_91, %add3A_92 : i32
        %swap3A_94 = arith.index_cast %add3A_93 : i32 to index
        %swap3A_95 = tpu.vector_load %arg7[%swap3A_94] {strides = array<i32>} : memref<4096xi32, #tpu.memory_space<vmem>>, vector<16xi32>,
        tpu.vector_store %arg7[%swap3A_94], %broadcast_in_dim3A_7 {strides = array<i32>} : memref<4096xi32, #tpu.memory_space<vmem>>, vector<16xi32>,
        %mul3A_96 = arith.constant 128 : i32
        %mul3A_97 = arith.muli %scan3A_50, %mul3A_96 : i32
        %add3A_98 = arith.constant 64 : i32
        %add3A_99 = arith.addi %mul3A_97, %add3A_98 : i32
        %swap3A_100 = arith.index_cast %add3A_99 : i32 to index
        %swap3A_101 = tpu.vector_load %arg6[%swap3A_100] {strides = array<i32>} : memref<4096xi32, #tpu.memory_space<vmem>>, vector<16xi32>,
        tpu.vector_store %arg6[%swap3A_100], %broadcast_in_dim3A_7 {strides = array<i32>} : memref<4096xi32, #tpu.memory_space<vmem>>, vector<16xi32>,
        %mul3A_102 = arith.constant 128 : i32
        %mul3A_103 = arith.muli %scan3A_50, %mul3A_102 : i32
        %add3A_104 = arith.constant 64 : i32
        %add3A_105 = arith.addi %mul3A_103, %add3A_104 : i32
        %swap3A_106 = arith.index_cast %add3A_105 : i32 to index
        %swap3A_107 = tpu.vector_load %arg7[%swap3A_106] {strides = array<i32>} : memref<4096xi32, #tpu.memory_space<vmem>>, vector<16xi32>,
        tpu.vector_store %arg7[%swap3A_106], %broadcast_in_dim3A_7 {strides = array<i32>} : memref<4096xi32, #tpu.memory_space<vmem>>, vector<16xi32>,
        %mul3A_108 = arith.constant 128 : i32
        %mul3A_109 = arith.muli %scan3A_50, %mul3A_108 : i32
        %add3A_110 = arith.constant 80 : i32
        %add3A_111 = arith.addi %mul3A_109, %add3A_110 : i32
        %swap3A_112 = arith.index_cast %add3A_111 : i32 to index
        %swap3A_113 = tpu.vector_load %arg6[%swap3A_112] {strides = array<i32>} : memref<4096xi32, #tpu.memory_space<vmem>>, vector<16xi32>,
        tpu.vector_store %arg6[%swap3A_112], %broadcast_in_dim3A_7 {strides = array<i32>} : memref<4096xi32, #tpu.memory_space<vmem>>, vector<16xi32>,
        %mul3A_114 = arith.constant 128 : i32
        %mul3A_115 = arith.muli %scan3A_50, %mul3A_114 : i32
        %add3A_116 = arith.constant 80 : i32
        %add3A_117 = arith.addi %mul3A_115, %add3A_116 : i32
        %swap3A_118 = arith.index_cast %add3A_117 : i32 to index
        %swap3A_119 = tpu.vector_load %arg7[%swap3A_118] {strides = array<i32>} : memref<4096xi32, #tpu.memory_space<vmem>>, vector<16xi32>,
        tpu.vector_store %arg7[%swap3A_118], %broadcast_in_dim3A_7 {strides = array<i32>} : memref<4096xi32, #tpu.memory_space<vmem>>, vector<16xi32>,
        %mul3A_120 = arith.constant 128 : i32
        %mul3A_121 = arith.muli %scan3A_50, %mul3A_120 : i32
        %add3A_122 = arith.constant 96 : i32
        %add3A_123 = arith.addi %mul3A_121, %add3A_122 : i32
        %swap3A_124 = arith.index_cast %add3A_123 : i32 to index
        %swap3A_125 = tpu.vector_load %arg6[%swap3A_124] {strides = array<i32>} : memref<4096xi32, #tpu.memory_space<vmem>>, vector<16xi32>,
        tpu.vector_store %arg6[%swap3A_124], %broadcast_in_dim3A_7 {strides = array<i32>} : memref<4096xi32, #tpu.memory_space<vmem>>, vector<16xi32>,
        %mul3A_126 = arith.constant 128 : i32
        %mul3A_127 = arith.muli %scan3A_50, %mul3A_126 : i32
        %add3A_128 = arith.constant 96 : i32
        %add3A_129 = arith.addi %mul3A_127, %add3A_128 : i32
        %swap3A_130 = arith.index_cast %add3A_129 : i32 to index
        %swap3A_131 = tpu.vector_load %arg7[%swap3A_130] {strides = array<i32>} : memref<4096xi32, #tpu.memory_space<vmem>>, vector<16xi32>,
        tpu.vector_store %arg7[%swap3A_130], %broadcast_in_dim3A_7 {strides = array<i32>} : memref<4096xi32, #tpu.memory_space<vmem>>, vector<16xi32>,
        %mul3A_132 = arith.constant 128 : i32
        %mul3A_133 = arith.muli %scan3A_50, %mul3A_132 : i32
        %add3A_134 = arith.constant 112 : i32
        %add3A_135 = arith.addi %mul3A_133, %add3A_134 : i32
        %swap3A_136 = arith.index_cast %add3A_135 : i32 to index
        %swap3A_137 = tpu.vector_load %arg6[%swap3A_136] {strides = array<i32>} : memref<4096xi32, #tpu.memory_space<vmem>>, vector<16xi32>,
        tpu.vector_store %arg6[%swap3A_136], %broadcast_in_dim3A_7 {strides = array<i32>} : memref<4096xi32, #tpu.memory_space<vmem>>, vector<16xi32>,
        %mul3A_138 = arith.constant 128 : i32
        %mul3A_139 = arith.muli %scan3A_50, %mul3A_138 : i32
        %add3A_140 = arith.constant 112 : i32
        %add3A_141 = arith.addi %mul3A_139, %add3A_140 : i32
        %swap3A_142 = arith.index_cast %add3A_141 : i32 to index
        %swap3A_143 = tpu.vector_load %arg7[%swap3A_142] {strides = array<i32>} : memref<4096xi32, #tpu.memory_space<vmem>>, vector<16xi32>,
        tpu.vector_store %arg7[%swap3A_142], %broadcast_in_dim3A_7 {strides = array<i32>} : memref<4096xi32, #tpu.memory_space<vmem>>, vector<16xi32>,
      }
      %scan3A_12 = arith.constant 32 : i32
      %dma_wait3A = arith.constant 0 : i32
      %dma_wait3A_13 = tpu.memref_slice %arg2[%arg1, %dma_wait3A] : memref<16x4096xi32, #tpu.memory_space<hbm>> -> memref<1x4096xi32, #tpu.memory_space<hbm>>
      %dma_wait3A_14 = tpu.memref_squeeze %dma_wait3A_13 : memref<1x4096xi32, #tpu.memory_space<hbm>> -> memref<4096xi32, #tpu.memory_space<hbm>>
      %dma_wait3A_15 = arith.constant 0 : i32
      %dma_wait3A_16 = tpu.memref_slice %arg2[%arg1, %dma_wait3A_15] : memref<16x4096xi32, #tpu.memory_space<hbm>> -> memref<1x4096xi32, #tpu.memory_space<hbm>>
      %dma_wait3A_17 = tpu.memref_squeeze %dma_wait3A_16 : memref<1x4096xi32, #tpu.memory_space<hbm>> -> memref<4096xi32, #tpu.memory_space<hbm>>
      tpu.wait_dma2 semaphore(%arg8 : memref<!tpu.dma_semaphore, #tpu.memory_space<semaphore_mem>>) src(%dma_wait3A_17 : memref<4096xi32, #tpu.memory_space<hbm>>) dst(%arg5 : memref<4096xi32, #tpu.memory_space<vmem>>)
      %iota3A = tpu.iota {dimensions = array<i32: 0>} : vector<16xi32>
      %scan3A_18 = arith.constant 0 : i32
      %scan3A_19 = arith.constant 0 : i32
      %scan3A_20 = arith.constant 0 : i32
      %scan3A_21 = arith.constant 16 : i32
      %scan3A_22 = arith.addi %scan3A_20, %scan3A_21 : i32
      %scan3A_23 = arith.constant 1 : i32
      %scan3A_24:2 = scf.for %scan3A_50 = %scan3A_20 to %scan3A_22 step %scan3A_23 iter_args(%scan3A_51 = %scan3A_18, %scan3A_52 = %scan3A_19) -> (i32, i32)  : i32 {
        %mul3A = arith.constant 256 : i32
        %mul3A_53 = arith.muli %scan3A_50, %mul3A : i32
        %add3A = arith.constant 0 : i32
        %add3A_54 = arith.addi %mul3A_53, %add3A : i32
        %get3A = arith.index_cast %add3A_54 : i32 to index
        %get3A_55 = tpu.vector_load %arg5[%get3A] {strides = array<i32>} : memref<4096xi32, #tpu.memory_space<vmem>>, vector<16xi32>,
        %eq3A = arith.constant 28996 : i32
        %eq3A_56 = vector.broadcast %eq3A : i32 to vector<16xi32>
        %eq3A_57 = arith.cmpi eq, %get3A_55, %eq3A_56 : vector<16xi32>
        %eq3A_58 = arith.constant 28998 : i32
        %eq3A_59 = vector.broadcast %eq3A_58 : i32 to vector<16xi32>
        %eq3A_60 = arith.cmpi eq, %get3A_55, %eq3A_59 : vector<16xi32>
        %or3A = arith.ori %eq3A_57, %eq3A_60 : vector<16xi1>
        %add3A_61 = arith.constant 16 : i32
        %add3A_62 = arith.addi %mul3A_53, %add3A_61 : i32
        %get3A_63 = arith.index_cast %add3A_62 : i32 to index
        %get3A_64 = tpu.vector_load %arg5[%get3A_63] {strides = array<i32>} : memref<4096xi32, #tpu.memory_space<vmem>>, vector<16xi32>,
        %eq3A_65 = arith.constant 28996 : i32
        %eq3A_66 = vector.broadcast %eq3A_65 : i32 to vector<16xi32>
        %eq3A_67 = arith.cmpi eq, %get3A_64, %eq3A_66 : vector<16xi32>
        %eq3A_68 = arith.constant 28998 : i32
        %eq3A_69 = vector.broadcast %eq3A_68 : i32 to vector<16xi32>
        %eq3A_70 = arith.cmpi eq, %get3A_64, %eq3A_69 : vector<16xi32>
        %or3A_71 = arith.ori %eq3A_67, %eq3A_70 : vector<16xi1>
        %or3A_72 = arith.ori %or3A, %or3A_71 : vector<16xi1>
        %add3A_73 = arith.constant 32 : i32
        %add3A_74 = arith.addi %mul3A_53, %add3A_73 : i32
        %get3A_75 = arith.index_cast %add3A_74 : i32 to index
        %get3A_76 = tpu.vector_load %arg5[%get3A_75] {strides = array<i32>} : memref<4096xi32, #tpu.memory_space<vmem>>, vector<16xi32>,
        %eq3A_77 = arith.constant 28996 : i32
        %eq3A_78 = vector.broadcast %eq3A_77 : i32 to vector<16xi32>
        %eq3A_79 = arith.cmpi eq, %get3A_76, %eq3A_78 : vector<16xi32>
        %eq3A_80 = arith.constant 28998 : i32
        %eq3A_81 = vector.broadcast %eq3A_80 : i32 to vector<16xi32>
        %eq3A_82 = arith.cmpi eq, %get3A_76, %eq3A_81 : vector<16xi32>
        %or3A_83 = arith.ori %eq3A_79, %eq3A_82 : vector<16xi1>
        %or3A_84 = arith.ori %or3A_72, %or3A_83 : vector<16xi1>
        %add3A_85 = arith.constant 48 : i32
        %add3A_86 = arith.addi %mul3A_53, %add3A_85 : i32
        %get3A_87 = arith.index_cast %add3A_86 : i32 to index
        %get3A_88 = tpu.vector_load %arg5[%get3A_87] {strides = array<i32>} : memref<4096xi32, #tpu.memory_space<vmem>>, vector<16xi32>,
        %eq3A_89 = arith.constant 28996 : i32
        %eq3A_90 = vector.broadcast %eq3A_89 : i32 to vector<16xi32>
        %eq3A_91 = arith.cmpi eq, %get3A_88, %eq3A_90 : vector<16xi32>
        %eq3A_92 = arith.constant 28998 : i32
        %eq3A_93 = vector.broadcast %eq3A_92 : i32 to vector<16xi32>
        %eq3A_94 = arith.cmpi eq, %get3A_88, %eq3A_93 : vector<16xi32>
        %or3A_95 = arith.ori %eq3A_91, %eq3A_94 : vector<16xi1>
        %or3A_96 = arith.ori %or3A_84, %or3A_95 : vector<16xi1>
        %add3A_97 = arith.constant 64 : i32
        %add3A_98 = arith.addi %mul3A_53, %add3A_97 : i32
        %get3A_99 = arith.index_cast %add3A_98 : i32 to index
        %get3A_100 = tpu.vector_load %arg5[%get3A_99] {strides = array<i32>} : memref<4096xi32, #tpu.memory_space<vmem>>, vector<16xi32>,
        %eq3A_101 = arith.constant 28996 : i32
        %eq3A_102 = vector.broadcast %eq3A_101 : i32 to vector<16xi32>
        %eq3A_103 = arith.cmpi eq, %get3A_100, %eq3A_102 : vector<16xi32>
        %eq3A_104 = arith.constant 28998 : i32
        %eq3A_105 = vector.broadcast %eq3A_104 : i32 to vector<16xi32>
        %eq3A_106 = arith.cmpi eq, %get3A_100, %eq3A_105 : vector<16xi32>
        %or3A_107 = arith.ori %eq3A_103, %eq3A_106 : vector<16xi1>
        %or3A_108 = arith.ori %or3A_96, %or3A_107 : vector<16xi1>
        %add3A_109 = arith.constant 80 : i32
        %add3A_110 = arith.addi %mul3A_53, %add3A_109 : i32
        %get3A_111 = arith.index_cast %add3A_110 : i32 to index
        %get3A_112 = tpu.vector_load %arg5[%get3A_111] {strides = array<i32>} : memref<4096xi32, #tpu.memory_space<vmem>>, vector<16xi32>,
        %eq3A_113 = arith.constant 28996 : i32
        %eq3A_114 = vector.broadcast %eq3A_113 : i32 to vector<16xi32>
        %eq3A_115 = arith.cmpi eq, %get3A_112, %eq3A_114 : vector<16xi32>
        %eq3A_116 = arith.constant 28998 : i32
        %eq3A_117 = vector.broadcast %eq3A_116 : i32 to vector<16xi32>
        %eq3A_118 = arith.cmpi eq, %get3A_112, %eq3A_117 : vector<16xi32>
        %or3A_119 = arith.ori %eq3A_115, %eq3A_118 : vector<16xi1>
        %or3A_120 = arith.ori %or3A_108, %or3A_119 : vector<16xi1>
        %add3A_121 = arith.constant 96 : i32
        %add3A_122 = arith.addi %mul3A_53, %add3A_121 : i32
        %get3A_123 = arith.index_cast %add3A_122 : i32 to index
        %get3A_124 = tpu.vector_load %arg5[%get3A_123] {strides = array<i32>} : memref<4096xi32, #tpu.memory_space<vmem>>, vector<16xi32>,
        %eq3A_125 = arith.constant 28996 : i32
        %eq3A_126 = vector.broadcast %eq3A_125 : i32 to vector<16xi32>
        %eq3A_127 = arith.cmpi eq, %get3A_124, %eq3A_126 : vector<16xi32>
        %eq3A_128 = arith.constant 28998 : i32
        %eq3A_129 = vector.broadcast %eq3A_128 : i32 to vector<16xi32>
        %eq3A_130 = arith.cmpi eq, %get3A_124, %eq3A_129 : vector<16xi32>
        %or3A_131 = arith.ori %eq3A_127, %eq3A_130 : vector<16xi1>
        %or3A_132 = arith.ori %or3A_120, %or3A_131 : vector<16xi1>
        %add3A_133 = arith.constant 112 : i32
        %add3A_134 = arith.addi %mul3A_53, %add3A_133 : i32
        %get3A_135 = arith.index_cast %add3A_134 : i32 to index
        %get3A_136 = tpu.vector_load %arg5[%get3A_135] {strides = array<i32>} : memref<4096xi32, #tpu.memory_space<vmem>>, vector<16xi32>,
        %eq3A_137 = arith.constant 28996 : i32
        %eq3A_138 = vector.broadcast %eq3A_137 : i32 to vector<16xi32>
        %eq3A_139 = arith.cmpi eq, %get3A_136, %eq3A_138 : vector<16xi32>
        %eq3A_140 = arith.constant 28998 : i32
        %eq3A_141 = vector.broadcast %eq3A_140 : i32 to vector<16xi32>
        %eq3A_142 = arith.cmpi eq, %get3A_136, %eq3A_141 : vector<16xi32>
        %or3A_143 = arith.ori %eq3A_139, %eq3A_142 : vector<16xi1>
        %or3A_144 = arith.ori %or3A_132, %or3A_143 : vector<16xi1>
        %add3A_145 = arith.constant 128 : i32
        %add3A_146 = arith.addi %mul3A_53, %add3A_145 : i32
        %get3A_147 = arith.index_cast %add3A_146 : i32 to index
        %get3A_148 = tpu.vector_load %arg5[%get3A_147] {strides = array<i32>} : memref<4096xi32, #tpu.memory_space<vmem>>, vector<16xi32>,
        %eq3A_149 = arith.constant 28996 : i32
        %eq3A_150 = vector.broadcast %eq3A_149 : i32 to vector<16xi32>
        %eq3A_151 = arith.cmpi eq, %get3A_148, %eq3A_150 : vector<16xi32>
        %eq3A_152 = arith.constant 28998 : i32
        %eq3A_153 = vector.broadcast %eq3A_152 : i32 to vector<16xi32>
        %eq3A_154 = arith.cmpi eq, %get3A_148, %eq3A_153 : vector<16xi32>
        %or3A_155 = arith.ori %eq3A_151, %eq3A_154 : vector<16xi1>
        %or3A_156 = arith.ori %or3A_144, %or3A_155 : vector<16xi1>
        %add3A_157 = arith.constant 144 : i32
        %add3A_158 = arith.addi %mul3A_53, %add3A_157 : i32
        %get3A_159 = arith.index_cast %add3A_158 : i32 to index
        %get3A_160 = tpu.vector_load %arg5[%get3A_159] {strides = array<i32>} : memref<4096xi32, #tpu.memory_space<vmem>>, vector<16xi32>,
        %eq3A_161 = arith.constant 28996 : i32
        %eq3A_162 = vector.broadcast %eq3A_161 : i32 to vector<16xi32>
        %eq3A_163 = arith.cmpi eq, %get3A_160, %eq3A_162 : vector<16xi32>
        %eq3A_164 = arith.constant 28998 : i32
        %eq3A_165 = vector.broadcast %eq3A_164 : i32 to vector<16xi32>
        %eq3A_166 = arith.cmpi eq, %get3A_160, %eq3A_165 : vector<16xi32>
        %or3A_167 = arith.ori %eq3A_163, %eq3A_166 : vector<16xi1>
        %or3A_168 = arith.ori %or3A_156, %or3A_167 : vector<16xi1>
        %add3A_169 = arith.constant 160 : i32
        %add3A_170 = arith.addi %mul3A_53, %add3A_169 : i32
        %get3A_171 = arith.index_cast %add3A_170 : i32 to index
        %get3A_172 = tpu.vector_load %arg5[%get3A_171] {strides = array<i32>} : memref<4096xi32, #tpu.memory_space<vmem>>, vector<16xi32>,
        %eq3A_173 = arith.constant 28996 : i32
        %eq3A_174 = vector.broadcast %eq3A_173 : i32 to vector<16xi32>
        %eq3A_175 = arith.cmpi eq, %get3A_172, %eq3A_174 : vector<16xi32>
        %eq3A_176 = arith.constant 28998 : i32
        %eq3A_177 = vector.broadcast %eq3A_176 : i32 to vector<16xi32>
        %eq3A_178 = arith.cmpi eq, %get3A_172, %eq3A_177 : vector<16xi32>
        %or3A_179 = arith.ori %eq3A_175, %eq3A_178 : vector<16xi1>
        %or3A_180 = arith.ori %or3A_168, %or3A_179 : vector<16xi1>
        %add3A_181 = arith.constant 176 : i32
        %add3A_182 = arith.addi %mul3A_53, %add3A_181 : i32
        %get3A_183 = arith.index_cast %add3A_182 : i32 to index
        %get3A_184 = tpu.vector_load %arg5[%get3A_183] {strides = array<i32>} : memref<4096xi32, #tpu.memory_space<vmem>>, vector<16xi32>,
        %eq3A_185 = arith.constant 28996 : i32
        %eq3A_186 = vector.broadcast %eq3A_185 : i32 to vector<16xi32>
        %eq3A_187 = arith.cmpi eq, %get3A_184, %eq3A_186 : vector<16xi32>
        %eq3A_188 = arith.constant 28998 : i32
        %eq3A_189 = vector.broadcast %eq3A_188 : i32 to vector<16xi32>
        %eq3A_190 = arith.cmpi eq, %get3A_184, %eq3A_189 : vector<16xi32>
        %or3A_191 = arith.ori %eq3A_187, %eq3A_190 : vector<16xi1>
        %or3A_192 = arith.ori %or3A_180, %or3A_191 : vector<16xi1>
        %add3A_193 = arith.constant 192 : i32
        %add3A_194 = arith.addi %mul3A_53, %add3A_193 : i32
        %get3A_195 = arith.index_cast %add3A_194 : i32 to index
        %get3A_196 = tpu.vector_load %arg5[%get3A_195] {strides = array<i32>} : memref<4096xi32, #tpu.memory_space<vmem>>, vector<16xi32>,
        %eq3A_197 = arith.constant 28996 : i32
        %eq3A_198 = vector.broadcast %eq3A_197 : i32 to vector<16xi32>
        %eq3A_199 = arith.cmpi eq, %get3A_196, %eq3A_198 : vector<16xi32>
        %eq3A_200 = arith.constant 28998 : i32
        %eq3A_201 = vector.broadcast %eq3A_200 : i32 to vector<16xi32>
        %eq3A_202 = arith.cmpi eq, %get3A_196, %eq3A_201 : vector<16xi32>
        %or3A_203 = arith.ori %eq3A_199, %eq3A_202 : vector<16xi1>
        %or3A_204 = arith.ori %or3A_192, %or3A_203 : vector<16xi1>
        %add3A_205 = arith.constant 208 : i32
        %add3A_206 = arith.addi %mul3A_53, %add3A_205 : i32
        %get3A_207 = arith.index_cast %add3A_206 : i32 to index
        %get3A_208 = tpu.vector_load %arg5[%get3A_207] {strides = array<i32>} : memref<4096xi32, #tpu.memory_space<vmem>>, vector<16xi32>,
        %eq3A_209 = arith.constant 28996 : i32
        %eq3A_210 = vector.broadcast %eq3A_209 : i32 to vector<16xi32>
        %eq3A_211 = arith.cmpi eq, %get3A_208, %eq3A_210 : vector<16xi32>
        %eq3A_212 = arith.constant 28998 : i32
        %eq3A_213 = vector.broadcast %eq3A_212 : i32 to vector<16xi32>
        %eq3A_214 = arith.cmpi eq, %get3A_208, %eq3A_213 : vector<16xi32>
        %or3A_215 = arith.ori %eq3A_211, %eq3A_214 : vector<16xi1>
        %or3A_216 = arith.ori %or3A_204, %or3A_215 : vector<16xi1>
        %add3A_217 = arith.constant 224 : i32
        %add3A_218 = arith.addi %mul3A_53, %add3A_217 : i32
        %get3A_219 = arith.index_cast %add3A_218 : i32 to index
        %get3A_220 = tpu.vector_load %arg5[%get3A_219] {strides = array<i32>} : memref<4096xi32, #tpu.memory_space<vmem>>, vector<16xi32>,
        %eq3A_221 = arith.constant 28996 : i32
        %eq3A_222 = vector.broadcast %eq3A_221 : i32 to vector<16xi32>
        %eq3A_223 = arith.cmpi eq, %get3A_220, %eq3A_222 : vector<16xi32>
        %eq3A_224 = arith.constant 28998 : i32
        %eq3A_225 = vector.broadcast %eq3A_224 : i32 to vector<16xi32>
        %eq3A_226 = arith.cmpi eq, %get3A_220, %eq3A_225 : vector<16xi32>
        %or3A_227 = arith.ori %eq3A_223, %eq3A_226 : vector<16xi1>
        %or3A_228 = arith.ori %or3A_216, %or3A_227 : vector<16xi1>
        %add3A_229 = arith.constant 240 : i32
        %add3A_230 = arith.addi %mul3A_53, %add3A_229 : i32
        %get3A_231 = arith.index_cast %add3A_230 : i32 to index
        %get3A_232 = tpu.vector_load %arg5[%get3A_231] {strides = array<i32>} : memref<4096xi32, #tpu.memory_space<vmem>>, vector<16xi32>,
        %eq3A_233 = arith.constant 28996 : i32
        %eq3A_234 = vector.broadcast %eq3A_233 : i32 to vector<16xi32>
        %eq3A_235 = arith.cmpi eq, %get3A_232, %eq3A_234 : vector<16xi32>
        %eq3A_236 = arith.constant 28998 : i32
        %eq3A_237 = vector.broadcast %eq3A_236 : i32 to vector<16xi32>
        %eq3A_238 = arith.cmpi eq, %get3A_232, %eq3A_237 : vector<16xi32>
        %or3A_239 = arith.ori %eq3A_235, %eq3A_238 : vector<16xi1>
        %or3A_240 = arith.ori %or3A_228, %or3A_239 : vector<16xi1>
        %reduce_or3A = arith.constant 1.000000e+00 : f32
        %reduce_or3A_241 = arith.constant 0.000000e+00 : f32
        %reduce_or3A_242 = vector.broadcast %reduce_or3A : f32 to vector<16xf32>
        %reduce_or3A_243 = vector.broadcast %reduce_or3A_241 : f32 to vector<16xf32>
        %reduce_or3A_244 = arith.select %or3A_240, %reduce_or3A_242, %reduce_or3A_243 : vector<16xi1>, vector<16xf32>
        %reduce_or3A_245 = arith.constant true
        %reduce_or3A_246 = vector.broadcast %reduce_or3A_245 : i1 to vector<16xi1>
        %reduce_or3A_247 = tpu.scan <max>, %reduce_or3A_244 masked %reduce_or3A_246 : vector<16xf32>, vector<16xi1> -> vector<16xf32>
        %reduce_or3A_248 = vector.extract %reduce_or3A_247[15] : f32 from vector<16xf32>
        %reduce_or3A_249 = arith.constant 0.000000e+00 : f32
        %reduce_or3A_250 = arith.cmpf ogt, %reduce_or3A_248, %reduce_or3A_249 : f32
        %convert_element_type3A_251 = arith.extui %reduce_or3A_250 : i1 to i32
        %cond3A_252 = arith.constant 0 : i32
        %cond3A_253 = arith.cmpi ne, %convert_element_type3A_251, %cond3A_252 : i32
        %cond3A_254:2 = scf.if %cond3A_253 -> (i32, i32) {
          %add3A_255 = arith.constant 0 : i32
          %add3A_256 = arith.addi %mul3A_53, %add3A_255 : i32
          %add3A_257 = vector.broadcast %add3A_256 : i32 to vector<16xi32>
          %add3A_258 = arith.addi %iota3A, %add3A_257 : vector<16xi32>
          %jit3A = arith.constant 1 : i32
          %jit3A_259 = arith.constant 0 : i32
          %broadcast_in_dim3A_260 = vector.broadcast %jit3A : i32 to vector<16xi32>
          %broadcast_in_dim3A_261 = vector.broadcast %jit3A_259 : i32 to vector<16xi32>
          %select_n3A = arith.select %eq3A_57, %broadcast_in_dim3A_260, %broadcast_in_dim3A_261 : vector<16xi1>, vector<16xi32>
          %broadcast_in_dim3A_262 = arith.constant true
          %broadcast_in_dim3A_263 = vector.broadcast %broadcast_in_dim3A_262 : i1 to vector<16xi1>
          %masked_cumsum3A = tpu.scan <sum>, %select_n3A masked %broadcast_in_dim3A_263 : vector<16xi32>, vector<16xi1> -> vector<16xi32>
          %add3A_264 = vector.broadcast %scan3A_51 : i32 to vector<16xi32>
          %add3A_265 = arith.addi %add3A_264, %masked_cumsum3A : vector<16xi32>
          %sub3A = arith.constant 1 : i32
          %sub3A_266 = vector.broadcast %sub3A : i32 to vector<16xi32>
          %sub3A_267 = arith.subi %add3A_265, %sub3A_266 : vector<16xi32>
          tpu.vector_store_idx %arg6[%sub3A_267], %add3A_258 masked %eq3A_57 : memref<4096xi32, #tpu.memory_space<vmem>>[vector<16xi32>], vector<16xi32>, vector<16xi1>
          %reduce_sum3A = arith.constant true
          %reduce_sum3A_268 = vector.broadcast %reduce_sum3A : i1 to vector<16xi1>
          %reduce_sum3A_269 = tpu.scan <sum>, %select_n3A masked %reduce_sum3A_268 : vector<16xi32>, vector<16xi1> -> vector<16xi32>
          %reduce_sum3A_270 = vector.extract %reduce_sum3A_269[15] : i32 from vector<16xi32>
          %add3A_271 = arith.addi %scan3A_51, %reduce_sum3A_270 : i32
          %jit3A_272 = arith.constant 1 : i32
          %jit3A_273 = arith.constant 0 : i32
          %broadcast_in_dim3A_274 = vector.broadcast %jit3A_272 : i32 to vector<16xi32>
          %broadcast_in_dim3A_275 = vector.broadcast %jit3A_273 : i32 to vector<16xi32>
          %select_n3A_276 = arith.select %eq3A_60, %broadcast_in_dim3A_274, %broadcast_in_dim3A_275 : vector<16xi1>, vector<16xi32>
          %broadcast_in_dim3A_277 = arith.constant true
          %broadcast_in_dim3A_278 = vector.broadcast %broadcast_in_dim3A_277 : i1 to vector<16xi1>
          %masked_cumsum3A_279 = tpu.scan <sum>, %select_n3A_276 masked %broadcast_in_dim3A_278 : vector<16xi32>, vector<16xi1> -> vector<16xi32>
          %add3A_280 = vector.broadcast %scan3A_52 : i32 to vector<16xi32>
          %add3A_281 = arith.addi %add3A_280, %masked_cumsum3A_279 : vector<16xi32>
          %sub3A_282 = arith.constant 1 : i32
          %sub3A_283 = vector.broadcast %sub3A_282 : i32 to vector<16xi32>
          %sub3A_284 = arith.subi %add3A_281, %sub3A_283 : vector<16xi32>
          tpu.vector_store_idx %arg7[%sub3A_284], %add3A_258 masked %eq3A_60 : memref<4096xi32, #tpu.memory_space<vmem>>[vector<16xi32>], vector<16xi32>, vector<16xi1>
          %reduce_sum3A_285 = arith.constant true
          %reduce_sum3A_286 = vector.broadcast %reduce_sum3A_285 : i1 to vector<16xi1>
          %reduce_sum3A_287 = tpu.scan <sum>, %select_n3A_276 masked %reduce_sum3A_286 : vector<16xi32>, vector<16xi1> -> vector<16xi32>
          %reduce_sum3A_288 = vector.extract %reduce_sum3A_287[15] : i32 from vector<16xi32>
          %add3A_289 = arith.addi %scan3A_52, %reduce_sum3A_288 : i32
          %add3A_290 = arith.constant 16 : i32
          %add3A_291 = arith.addi %mul3A_53, %add3A_290 : i32
          %add3A_292 = vector.broadcast %add3A_291 : i32 to vector<16xi32>
          %add3A_293 = arith.addi %iota3A, %add3A_292 : vector<16xi32>
          %jit3A_294 = arith.constant 1 : i32
          %jit3A_295 = arith.constant 0 : i32
          %broadcast_in_dim3A_296 = vector.broadcast %jit3A_294 : i32 to vector<16xi32>
          %broadcast_in_dim3A_297 = vector.broadcast %jit3A_295 : i32 to vector<16xi32>
          %select_n3A_298 = arith.select %eq3A_67, %broadcast_in_dim3A_296, %broadcast_in_dim3A_297 : vector<16xi1>, vector<16xi32>
          %broadcast_in_dim3A_299 = arith.constant true
          %broadcast_in_dim3A_300 = vector.broadcast %broadcast_in_dim3A_299 : i1 to vector<16xi1>
          %masked_cumsum3A_301 = tpu.scan <sum>, %select_n3A_298 masked %broadcast_in_dim3A_300 : vector<16xi32>, vector<16xi1> -> vector<16xi32>
          %add3A_302 = vector.broadcast %add3A_271 : i32 to vector<16xi32>
          %add3A_303 = arith.addi %add3A_302, %masked_cumsum3A_301 : vector<16xi32>
          %sub3A_304 = arith.constant 1 : i32
          %sub3A_305 = vector.broadcast %sub3A_304 : i32 to vector<16xi32>
          %sub3A_306 = arith.subi %add3A_303, %sub3A_305 : vector<16xi32>
          tpu.vector_store_idx %arg6[%sub3A_306], %add3A_293 masked %eq3A_67 : memref<4096xi32, #tpu.memory_space<vmem>>[vector<16xi32>], vector<16xi32>, vector<16xi1>
          %reduce_sum3A_307 = arith.constant true
          %reduce_sum3A_308 = vector.broadcast %reduce_sum3A_307 : i1 to vector<16xi1>
          %reduce_sum3A_309 = tpu.scan <sum>, %select_n3A_298 masked %reduce_sum3A_308 : vector<16xi32>, vector<16xi1> -> vector<16xi32>
          %reduce_sum3A_310 = vector.extract %reduce_sum3A_309[15] : i32 from vector<16xi32>
          %add3A_311 = arith.addi %add3A_271, %reduce_sum3A_310 : i32
          %jit3A_312 = arith.constant 1 : i32
          %jit3A_313 = arith.constant 0 : i32
          %broadcast_in_dim3A_314 = vector.broadcast %jit3A_312 : i32 to vector<16xi32>
          %broadcast_in_dim3A_315 = vector.broadcast %jit3A_313 : i32 to vector<16xi32>
          %select_n3A_316 = arith.select %eq3A_70, %broadcast_in_dim3A_314, %broadcast_in_dim3A_315 : vector<16xi1>, vector<16xi32>
          %broadcast_in_dim3A_317 = arith.constant true
          %broadcast_in_dim3A_318 = vector.broadcast %broadcast_in_dim3A_317 : i1 to vector<16xi1>
          %masked_cumsum3A_319 = tpu.scan <sum>, %select_n3A_316 masked %broadcast_in_dim3A_318 : vector<16xi32>, vector<16xi1> -> vector<16xi32>
          %add3A_320 = vector.broadcast %add3A_289 : i32 to vector<16xi32>
          %add3A_321 = arith.addi %add3A_320, %masked_cumsum3A_319 : vector<16xi32>
          %sub3A_322 = arith.constant 1 : i32
          %sub3A_323 = vector.broadcast %sub3A_322 : i32 to vector<16xi32>
          %sub3A_324 = arith.subi %add3A_321, %sub3A_323 : vector<16xi32>
          tpu.vector_store_idx %arg7[%sub3A_324], %add3A_293 masked %eq3A_70 : memref<4096xi32, #tpu.memory_space<vmem>>[vector<16xi32>], vector<16xi32>, vector<16xi1>
          %reduce_sum3A_325 = arith.constant true
          %reduce_sum3A_326 = vector.broadcast %reduce_sum3A_325 : i1 to vector<16xi1>
          %reduce_sum3A_327 = tpu.scan <sum>, %select_n3A_316 masked %reduce_sum3A_326 : vector<16xi32>, vector<16xi1> -> vector<16xi32>
          %reduce_sum3A_328 = vector.extract %reduce_sum3A_327[15] : i32 from vector<16xi32>
          %add3A_329 = arith.addi %add3A_289, %reduce_sum3A_328 : i32
          %add3A_330 = arith.constant 32 : i32
          %add3A_331 = arith.addi %mul3A_53, %add3A_330 : i32
          %add3A_332 = vector.broadcast %add3A_331 : i32 to vector<16xi32>
          %add3A_333 = arith.addi %iota3A, %add3A_332 : vector<16xi32>
          %jit3A_334 = arith.constant 1 : i32
          %jit3A_335 = arith.constant 0 : i32
          %broadcast_in_dim3A_336 = vector.broadcast %jit3A_334 : i32 to vector<16xi32>
          %broadcast_in_dim3A_337 = vector.broadcast %jit3A_335 : i32 to vector<16xi32>
          %select_n3A_338 = arith.select %eq3A_79, %broadcast_in_dim3A_336, %broadcast_in_dim3A_337 : vector<16xi1>, vector<16xi32>
          %broadcast_in_dim3A_339 = arith.constant true
          %broadcast_in_dim3A_340 = vector.broadcast %broadcast_in_dim3A_339 : i1 to vector<16xi1>
          %masked_cumsum3A_341 = tpu.scan <sum>, %select_n3A_338 masked %broadcast_in_dim3A_340 : vector<16xi32>, vector<16xi1> -> vector<16xi32>
          %add3A_342 = vector.broadcast %add3A_311 : i32 to vector<16xi32>
          %add3A_343 = arith.addi %add3A_342, %masked_cumsum3A_341 : vector<16xi32>
          %sub3A_344 = arith.constant 1 : i32
          %sub3A_345 = vector.broadcast %sub3A_344 : i32 to vector<16xi32>
          %sub3A_346 = arith.subi %add3A_343, %sub3A_345 : vector<16xi32>
          tpu.vector_store_idx %arg6[%sub3A_346], %add3A_333 masked %eq3A_79 : memref<4096xi32, #tpu.memory_space<vmem>>[vector<16xi32>], vector<16xi32>, vector<16xi1>
          %reduce_sum3A_347 = arith.constant true
          %reduce_sum3A_348 = vector.broadcast %reduce_sum3A_347 : i1 to vector<16xi1>
          %reduce_sum3A_349 = tpu.scan <sum>, %select_n3A_338 masked %reduce_sum3A_348 : vector<16xi32>, vector<16xi1> -> vector<16xi32>
          %reduce_sum3A_350 = vector.extract %reduce_sum3A_349[15] : i32 from vector<16xi32>
          %add3A_351 = arith.addi %add3A_311, %reduce_sum3A_350 : i32
          %jit3A_352 = arith.constant 1 : i32
          %jit3A_353 = arith.constant 0 : i32
          %broadcast_in_dim3A_354 = vector.broadcast %jit3A_352 : i32 to vector<16xi32>
          %broadcast_in_dim3A_355 = vector.broadcast %jit3A_353 : i32 to vector<16xi32>
          %select_n3A_356 = arith.select %eq3A_82, %broadcast_in_dim3A_354, %broadcast_in_dim3A_355 : vector<16xi1>, vector<16xi32>
          %broadcast_in_dim3A_357 = arith.constant true
          %broadcast_in_dim3A_358 = vector.broadcast %broadcast_in_dim3A_357 : i1 to vector<16xi1>
          %masked_cumsum3A_359 = tpu.scan <sum>, %select_n3A_356 masked %broadcast_in_dim3A_358 : vector<16xi32>, vector<16xi1> -> vector<16xi32>
          %add3A_360 = vector.broadcast %add3A_329 : i32 to vector<16xi32>
          %add3A_361 = arith.addi %add3A_360, %masked_cumsum3A_359 : vector<16xi32>
          %sub3A_362 = arith.constant 1 : i32
          %sub3A_363 = vector.broadcast %sub3A_362 : i32 to vector<16xi32>
          %sub3A_364 = arith.subi %add3A_361, %sub3A_363 : vector<16xi32>
          tpu.vector_store_idx %arg7[%sub3A_364], %add3A_333 masked %eq3A_82 : memref<4096xi32, #tpu.memory_space<vmem>>[vector<16xi32>], vector<16xi32>, vector<16xi1>
          %reduce_sum3A_365 = arith.constant true
          %reduce_sum3A_366 = vector.broadcast %reduce_sum3A_365 : i1 to vector<16xi1>
          %reduce_sum3A_367 = tpu.scan <sum>, %select_n3A_356 masked %reduce_sum3A_366 : vector<16xi32>, vector<16xi1> -> vector<16xi32>
          %reduce_sum3A_368 = vector.extract %reduce_sum3A_367[15] : i32 from vector<16xi32>
          %add3A_369 = arith.addi %add3A_329, %reduce_sum3A_368 : i32
          %add3A_370 = arith.constant 48 : i32
          %add3A_371 = arith.addi %mul3A_53, %add3A_370 : i32
          %add3A_372 = vector.broadcast %add3A_371 : i32 to vector<16xi32>
          %add3A_373 = arith.addi %iota3A, %add3A_372 : vector<16xi32>
          %jit3A_374 = arith.constant 1 : i32
          %jit3A_375 = arith.constant 0 : i32
          %broadcast_in_dim3A_376 = vector.broadcast %jit3A_374 : i32 to vector<16xi32>
          %broadcast_in_dim3A_377 = vector.broadcast %jit3A_375 : i32 to vector<16xi32>
          %select_n3A_378 = arith.select %eq3A_91, %broadcast_in_dim3A_376, %broadcast_in_dim3A_377 : vector<16xi1>, vector<16xi32>
          %broadcast_in_dim3A_379 = arith.constant true
          %broadcast_in_dim3A_380 = vector.broadcast %broadcast_in_dim3A_379 : i1 to vector<16xi1>
          %masked_cumsum3A_381 = tpu.scan <sum>, %select_n3A_378 masked %broadcast_in_dim3A_380 : vector<16xi32>, vector<16xi1> -> vector<16xi32>
          %add3A_382 = vector.broadcast %add3A_351 : i32 to vector<16xi32>
          %add3A_383 = arith.addi %add3A_382, %masked_cumsum3A_381 : vector<16xi32>
          %sub3A_384 = arith.constant 1 : i32
          %sub3A_385 = vector.broadcast %sub3A_384 : i32 to vector<16xi32>
          %sub3A_386 = arith.subi %add3A_383, %sub3A_385 : vector<16xi32>
          tpu.vector_store_idx %arg6[%sub3A_386], %add3A_373 masked %eq3A_91 : memref<4096xi32, #tpu.memory_space<vmem>>[vector<16xi32>], vector<16xi32>, vector<16xi1>
          %reduce_sum3A_387 = arith.constant true
          %reduce_sum3A_388 = vector.broadcast %reduce_sum3A_387 : i1 to vector<16xi1>
          %reduce_sum3A_389 = tpu.scan <sum>, %select_n3A_378 masked %reduce_sum3A_388 : vector<16xi32>, vector<16xi1> -> vector<16xi32>
          %reduce_sum3A_390 = vector.extract %reduce_sum3A_389[15] : i32 from vector<16xi32>
          %add3A_391 = arith.addi %add3A_351, %reduce_sum3A_390 : i32
          %jit3A_392 = arith.constant 1 : i32
          %jit3A_393 = arith.constant 0 : i32
          %broadcast_in_dim3A_394 = vector.broadcast %jit3A_392 : i32 to vector<16xi32>
          %broadcast_in_dim3A_395 = vector.broadcast %jit3A_393 : i32 to vector<16xi32>
          %select_n3A_396 = arith.select %eq3A_94, %broadcast_in_dim3A_394, %broadcast_in_dim3A_395 : vector<16xi1>, vector<16xi32>
          %broadcast_in_dim3A_397 = arith.constant true
          %broadcast_in_dim3A_398 = vector.broadcast %broadcast_in_dim3A_397 : i1 to vector<16xi1>
          %masked_cumsum3A_399 = tpu.scan <sum>, %select_n3A_396 masked %broadcast_in_dim3A_398 : vector<16xi32>, vector<16xi1> -> vector<16xi32>
          %add3A_400 = vector.broadcast %add3A_369 : i32 to vector<16xi32>
          %add3A_401 = arith.addi %add3A_400, %masked_cumsum3A_399 : vector<16xi32>
          %sub3A_402 = arith.constant 1 : i32
          %sub3A_403 = vector.broadcast %sub3A_402 : i32 to vector<16xi32>
          %sub3A_404 = arith.subi %add3A_401, %sub3A_403 : vector<16xi32>
          tpu.vector_store_idx %arg7[%sub3A_404], %add3A_373 masked %eq3A_94 : memref<4096xi32, #tpu.memory_space<vmem>>[vector<16xi32>], vector<16xi32>, vector<16xi1>
          %reduce_sum3A_405 = arith.constant true
          %reduce_sum3A_406 = vector.broadcast %reduce_sum3A_405 : i1 to vector<16xi1>
          %reduce_sum3A_407 = tpu.scan <sum>, %select_n3A_396 masked %reduce_sum3A_406 : vector<16xi32>, vector<16xi1> -> vector<16xi32>
          %reduce_sum3A_408 = vector.extract %reduce_sum3A_407[15] : i32 from vector<16xi32>
          %add3A_409 = arith.addi %add3A_369, %reduce_sum3A_408 : i32
          %add3A_410 = arith.constant 64 : i32
          %add3A_411 = arith.addi %mul3A_53, %add3A_410 : i32
          %add3A_412 = vector.broadcast %add3A_411 : i32 to vector<16xi32>
          %add3A_413 = arith.addi %iota3A, %add3A_412 : vector<16xi32>
          %jit3A_414 = arith.constant 1 : i32
          %jit3A_415 = arith.constant 0 : i32
          %broadcast_in_dim3A_416 = vector.broadcast %jit3A_414 : i32 to vector<16xi32>
          %broadcast_in_dim3A_417 = vector.broadcast %jit3A_415 : i32 to vector<16xi32>
          %select_n3A_418 = arith.select %eq3A_103, %broadcast_in_dim3A_416, %broadcast_in_dim3A_417 : vector<16xi1>, vector<16xi32>
          %broadcast_in_dim3A_419 = arith.constant true
          %broadcast_in_dim3A_420 = vector.broadcast %broadcast_in_dim3A_419 : i1 to vector<16xi1>
          %masked_cumsum3A_421 = tpu.scan <sum>, %select_n3A_418 masked %broadcast_in_dim3A_420 : vector<16xi32>, vector<16xi1> -> vector<16xi32>
          %add3A_422 = vector.broadcast %add3A_391 : i32 to vector<16xi32>
          %add3A_423 = arith.addi %add3A_422, %masked_cumsum3A_421 : vector<16xi32>
          %sub3A_424 = arith.constant 1 : i32
          %sub3A_425 = vector.broadcast %sub3A_424 : i32 to vector<16xi32>
          %sub3A_426 = arith.subi %add3A_423, %sub3A_425 : vector<16xi32>
          tpu.vector_store_idx %arg6[%sub3A_426], %add3A_413 masked %eq3A_103 : memref<4096xi32, #tpu.memory_space<vmem>>[vector<16xi32>], vector<16xi32>, vector<16xi1>
          %reduce_sum3A_427 = arith.constant true
          %reduce_sum3A_428 = vector.broadcast %reduce_sum3A_427 : i1 to vector<16xi1>
          %reduce_sum3A_429 = tpu.scan <sum>, %select_n3A_418 masked %reduce_sum3A_428 : vector<16xi32>, vector<16xi1> -> vector<16xi32>
          %reduce_sum3A_430 = vector.extract %reduce_sum3A_429[15] : i32 from vector<16xi32>
          %add3A_431 = arith.addi %add3A_391, %reduce_sum3A_430 : i32
          %jit3A_432 = arith.constant 1 : i32
          %jit3A_433 = arith.constant 0 : i32
          %broadcast_in_dim3A_434 = vector.broadcast %jit3A_432 : i32 to vector<16xi32>
          %broadcast_in_dim3A_435 = vector.broadcast %jit3A_433 : i32 to vector<16xi32>
          %select_n3A_436 = arith.select %eq3A_106, %broadcast_in_dim3A_434, %broadcast_in_dim3A_435 : vector<16xi1>, vector<16xi32>
          %broadcast_in_dim3A_437 = arith.constant true
          %broadcast_in_dim3A_438 = vector.broadcast %broadcast_in_dim3A_437 : i1 to vector<16xi1>
          %masked_cumsum3A_439 = tpu.scan <sum>, %select_n3A_436 masked %broadcast_in_dim3A_438 : vector<16xi32>, vector<16xi1> -> vector<16xi32>
          %add3A_440 = vector.broadcast %add3A_409 : i32 to vector<16xi32>
          %add3A_441 = arith.addi %add3A_440, %masked_cumsum3A_439 : vector<16xi32>
          %sub3A_442 = arith.constant 1 : i32
          %sub3A_443 = vector.broadcast %sub3A_442 : i32 to vector<16xi32>
          %sub3A_444 = arith.subi %add3A_441, %sub3A_443 : vector<16xi32>
          tpu.vector_store_idx %arg7[%sub3A_444], %add3A_413 masked %eq3A_106 : memref<4096xi32, #tpu.memory_space<vmem>>[vector<16xi32>], vector<16xi32>, vector<16xi1>
          %reduce_sum3A_445 = arith.constant true
          %reduce_sum3A_446 = vector.broadcast %reduce_sum3A_445 : i1 to vector<16xi1>
          %reduce_sum3A_447 = tpu.scan <sum>, %select_n3A_436 masked %reduce_sum3A_446 : vector<16xi32>, vector<16xi1> -> vector<16xi32>
          %reduce_sum3A_448 = vector.extract %reduce_sum3A_447[15] : i32 from vector<16xi32>
          %add3A_449 = arith.addi %add3A_409, %reduce_sum3A_448 : i32
          %add3A_450 = arith.constant 80 : i32
          %add3A_451 = arith.addi %mul3A_53, %add3A_450 : i32
          %add3A_452 = vector.broadcast %add3A_451 : i32 to vector<16xi32>
          %add3A_453 = arith.addi %iota3A, %add3A_452 : vector<16xi32>
          %jit3A_454 = arith.constant 1 : i32
          %jit3A_455 = arith.constant 0 : i32
          %broadcast_in_dim3A_456 = vector.broadcast %jit3A_454 : i32 to vector<16xi32>
          %broadcast_in_dim3A_457 = vector.broadcast %jit3A_455 : i32 to vector<16xi32>
          %select_n3A_458 = arith.select %eq3A_115, %broadcast_in_dim3A_456, %broadcast_in_dim3A_457 : vector<16xi1>, vector<16xi32>
          %broadcast_in_dim3A_459 = arith.constant true
          %broadcast_in_dim3A_460 = vector.broadcast %broadcast_in_dim3A_459 : i1 to vector<16xi1>
          %masked_cumsum3A_461 = tpu.scan <sum>, %select_n3A_458 masked %broadcast_in_dim3A_460 : vector<16xi32>, vector<16xi1> -> vector<16xi32>
          %add3A_462 = vector.broadcast %add3A_431 : i32 to vector<16xi32>
          %add3A_463 = arith.addi %add3A_462, %masked_cumsum3A_461 : vector<16xi32>
          %sub3A_464 = arith.constant 1 : i32
          %sub3A_465 = vector.broadcast %sub3A_464 : i32 to vector<16xi32>
          %sub3A_466 = arith.subi %add3A_463, %sub3A_465 : vector<16xi32>
          tpu.vector_store_idx %arg6[%sub3A_466], %add3A_453 masked %eq3A_115 : memref<4096xi32, #tpu.memory_space<vmem>>[vector<16xi32>], vector<16xi32>, vector<16xi1>
          %reduce_sum3A_467 = arith.constant true
          %reduce_sum3A_468 = vector.broadcast %reduce_sum3A_467 : i1 to vector<16xi1>
          %reduce_sum3A_469 = tpu.scan <sum>, %select_n3A_458 masked %reduce_sum3A_468 : vector<16xi32>, vector<16xi1> -> vector<16xi32>
          %reduce_sum3A_470 = vector.extract %reduce_sum3A_469[15] : i32 from vector<16xi32>
          %add3A_471 = arith.addi %add3A_431, %reduce_sum3A_470 : i32
          %jit3A_472 = arith.constant 1 : i32
          %jit3A_473 = arith.constant 0 : i32
          %broadcast_in_dim3A_474 = vector.broadcast %jit3A_472 : i32 to vector<16xi32>
          %broadcast_in_dim3A_475 = vector.broadcast %jit3A_473 : i32 to vector<16xi32>
          %select_n3A_476 = arith.select %eq3A_118, %broadcast_in_dim3A_474, %broadcast_in_dim3A_475 : vector<16xi1>, vector<16xi32>
          %broadcast_in_dim3A_477 = arith.constant true
          %broadcast_in_dim3A_478 = vector.broadcast %broadcast_in_dim3A_477 : i1 to vector<16xi1>
          %masked_cumsum3A_479 = tpu.scan <sum>, %select_n3A_476 masked %broadcast_in_dim3A_478 : vector<16xi32>, vector<16xi1> -> vector<16xi32>
          %add3A_480 = vector.broadcast %add3A_449 : i32 to vector<16xi32>
          %add3A_481 = arith.addi %add3A_480, %masked_cumsum3A_479 : vector<16xi32>
          %sub3A_482 = arith.constant 1 : i32
          %sub3A_483 = vector.broadcast %sub3A_482 : i32 to vector<16xi32>
          %sub3A_484 = arith.subi %add3A_481, %sub3A_483 : vector<16xi32>
          tpu.vector_store_idx %arg7[%sub3A_484], %add3A_453 masked %eq3A_118 : memref<4096xi32, #tpu.memory_space<vmem>>[vector<16xi32>], vector<16xi32>, vector<16xi1>
          %reduce_sum3A_485 = arith.constant true
          %reduce_sum3A_486 = vector.broadcast %reduce_sum3A_485 : i1 to vector<16xi1>
          %reduce_sum3A_487 = tpu.scan <sum>, %select_n3A_476 masked %reduce_sum3A_486 : vector<16xi32>, vector<16xi1> -> vector<16xi32>
          %reduce_sum3A_488 = vector.extract %reduce_sum3A_487[15] : i32 from vector<16xi32>
          %add3A_489 = arith.addi %add3A_449, %reduce_sum3A_488 : i32
          %add3A_490 = arith.constant 96 : i32
          %add3A_491 = arith.addi %mul3A_53, %add3A_490 : i32
          %add3A_492 = vector.broadcast %add3A_491 : i32 to vector<16xi32>
          %add3A_493 = arith.addi %iota3A, %add3A_492 : vector<16xi32>
          %jit3A_494 = arith.constant 1 : i32
          %jit3A_495 = arith.constant 0 : i32
          %broadcast_in_dim3A_496 = vector.broadcast %jit3A_494 : i32 to vector<16xi32>
          %broadcast_in_dim3A_497 = vector.broadcast %jit3A_495 : i32 to vector<16xi32>
          %select_n3A_498 = arith.select %eq3A_127, %broadcast_in_dim3A_496, %broadcast_in_dim3A_497 : vector<16xi1>, vector<16xi32>
          %broadcast_in_dim3A_499 = arith.constant true
          %broadcast_in_dim3A_500 = vector.broadcast %broadcast_in_dim3A_499 : i1 to vector<16xi1>
          %masked_cumsum3A_501 = tpu.scan <sum>, %select_n3A_498 masked %broadcast_in_dim3A_500 : vector<16xi32>, vector<16xi1> -> vector<16xi32>
          %add3A_502 = vector.broadcast %add3A_471 : i32 to vector<16xi32>
          %add3A_503 = arith.addi %add3A_502, %masked_cumsum3A_501 : vector<16xi32>
          %sub3A_504 = arith.constant 1 : i32
          %sub3A_505 = vector.broadcast %sub3A_504 : i32 to vector<16xi32>
          %sub3A_506 = arith.subi %add3A_503, %sub3A_505 : vector<16xi32>
          tpu.vector_store_idx %arg6[%sub3A_506], %add3A_493 masked %eq3A_127 : memref<4096xi32, #tpu.memory_space<vmem>>[vector<16xi32>], vector<16xi32>, vector<16xi1>
          %reduce_sum3A_507 = arith.constant true
          %reduce_sum3A_508 = vector.broadcast %reduce_sum3A_507 : i1 to vector<16xi1>
          %reduce_sum3A_509 = tpu.scan <sum>, %select_n3A_498 masked %reduce_sum3A_508 : vector<16xi32>, vector<16xi1> -> vector<16xi32>
          %reduce_sum3A_510 = vector.extract %reduce_sum3A_509[15] : i32 from vector<16xi32>
          %add3A_511 = arith.addi %add3A_471, %reduce_sum3A_510 : i32
          %jit3A_512 = arith.constant 1 : i32
          %jit3A_513 = arith.constant 0 : i32
          %broadcast_in_dim3A_514 = vector.broadcast %jit3A_512 : i32 to vector<16xi32>
          %broadcast_in_dim3A_515 = vector.broadcast %jit3A_513 : i32 to vector<16xi32>
          %select_n3A_516 = arith.select %eq3A_130, %broadcast_in_dim3A_514, %broadcast_in_dim3A_515 : vector<16xi1>, vector<16xi32>
          %broadcast_in_dim3A_517 = arith.constant true
          %broadcast_in_dim3A_518 = vector.broadcast %broadcast_in_dim3A_517 : i1 to vector<16xi1>
          %masked_cumsum3A_519 = tpu.scan <sum>, %select_n3A_516 masked %broadcast_in_dim3A_518 : vector<16xi32>, vector<16xi1> -> vector<16xi32>
          %add3A_520 = vector.broadcast %add3A_489 : i32 to vector<16xi32>
          %add3A_521 = arith.addi %add3A_520, %masked_cumsum3A_519 : vector<16xi32>
          %sub3A_522 = arith.constant 1 : i32
          %sub3A_523 = vector.broadcast %sub3A_522 : i32 to vector<16xi32>
          %sub3A_524 = arith.subi %add3A_521, %sub3A_523 : vector<16xi32>
          tpu.vector_store_idx %arg7[%sub3A_524], %add3A_493 masked %eq3A_130 : memref<4096xi32, #tpu.memory_space<vmem>>[vector<16xi32>], vector<16xi32>, vector<16xi1>
          %reduce_sum3A_525 = arith.constant true
          %reduce_sum3A_526 = vector.broadcast %reduce_sum3A_525 : i1 to vector<16xi1>
          %reduce_sum3A_527 = tpu.scan <sum>, %select_n3A_516 masked %reduce_sum3A_526 : vector<16xi32>, vector<16xi1> -> vector<16xi32>
          %reduce_sum3A_528 = vector.extract %reduce_sum3A_527[15] : i32 from vector<16xi32>
          %add3A_529 = arith.addi %add3A_489, %reduce_sum3A_528 : i32
          %add3A_530 = arith.constant 112 : i32
          %add3A_531 = arith.addi %mul3A_53, %add3A_530 : i32
          %add3A_532 = vector.broadcast %add3A_531 : i32 to vector<16xi32>
          %add3A_533 = arith.addi %iota3A, %add3A_532 : vector<16xi32>
          %jit3A_534 = arith.constant 1 : i32
          %jit3A_535 = arith.constant 0 : i32
          %broadcast_in_dim3A_536 = vector.broadcast %jit3A_534 : i32 to vector<16xi32>
          %broadcast_in_dim3A_537 = vector.broadcast %jit3A_535 : i32 to vector<16xi32>
          %select_n3A_538 = arith.select %eq3A_139, %broadcast_in_dim3A_536, %broadcast_in_dim3A_537 : vector<16xi1>, vector<16xi32>
          %broadcast_in_dim3A_539 = arith.constant true
          %broadcast_in_dim3A_540 = vector.broadcast %broadcast_in_dim3A_539 : i1 to vector<16xi1>
          %masked_cumsum3A_541 = tpu.scan <sum>, %select_n3A_538 masked %broadcast_in_dim3A_540 : vector<16xi32>, vector<16xi1> -> vector<16xi32>
          %add3A_542 = vector.broadcast %add3A_511 : i32 to vector<16xi32>
          %add3A_543 = arith.addi %add3A_542, %masked_cumsum3A_541 : vector<16xi32>
          %sub3A_544 = arith.constant 1 : i32
          %sub3A_545 = vector.broadcast %sub3A_544 : i32 to vector<16xi32>
          %sub3A_546 = arith.subi %add3A_543, %sub3A_545 : vector<16xi32>
          tpu.vector_store_idx %arg6[%sub3A_546], %add3A_533 masked %eq3A_139 : memref<4096xi32, #tpu.memory_space<vmem>>[vector<16xi32>], vector<16xi32>, vector<16xi1>
          %reduce_sum3A_547 = arith.constant true
          %reduce_sum3A_548 = vector.broadcast %reduce_sum3A_547 : i1 to vector<16xi1>
          %reduce_sum3A_549 = tpu.scan <sum>, %select_n3A_538 masked %reduce_sum3A_548 : vector<16xi32>, vector<16xi1> -> vector<16xi32>
          %reduce_sum3A_550 = vector.extract %reduce_sum3A_549[15] : i32 from vector<16xi32>
          %add3A_551 = arith.addi %add3A_511, %reduce_sum3A_550 : i32
          %jit3A_552 = arith.constant 1 : i32
          %jit3A_553 = arith.constant 0 : i32
          %broadcast_in_dim3A_554 = vector.broadcast %jit3A_552 : i32 to vector<16xi32>
          %broadcast_in_dim3A_555 = vector.broadcast %jit3A_553 : i32 to vector<16xi32>
          %select_n3A_556 = arith.select %eq3A_142, %broadcast_in_dim3A_554, %broadcast_in_dim3A_555 : vector<16xi1>, vector<16xi32>
          %broadcast_in_dim3A_557 = arith.constant true
          %broadcast_in_dim3A_558 = vector.broadcast %broadcast_in_dim3A_557 : i1 to vector<16xi1>
          %masked_cumsum3A_559 = tpu.scan <sum>, %select_n3A_556 masked %broadcast_in_dim3A_558 : vector<16xi32>, vector<16xi1> -> vector<16xi32>
          %add3A_560 = vector.broadcast %add3A_529 : i32 to vector<16xi32>
          %add3A_561 = arith.addi %add3A_560, %masked_cumsum3A_559 : vector<16xi32>
          %sub3A_562 = arith.constant 1 : i32
          %sub3A_563 = vector.broadcast %sub3A_562 : i32 to vector<16xi32>
          %sub3A_564 = arith.subi %add3A_561, %sub3A_563 : vector<16xi32>
          tpu.vector_store_idx %arg7[%sub3A_564], %add3A_533 masked %eq3A_142 : memref<4096xi32, #tpu.memory_space<vmem>>[vector<16xi32>], vector<16xi32>, vector<16xi1>
          %reduce_sum3A_565 = arith.constant true
          %reduce_sum3A_566 = vector.broadcast %reduce_sum3A_565 : i1 to vector<16xi1>
          %reduce_sum3A_567 = tpu.scan <sum>, %select_n3A_556 masked %reduce_sum3A_566 : vector<16xi32>, vector<16xi1> -> vector<16xi32>
          %reduce_sum3A_568 = vector.extract %reduce_sum3A_567[15] : i32 from vector<16xi32>
          %add3A_569 = arith.addi %add3A_529, %reduce_sum3A_568 : i32
          %add3A_570 = arith.constant 128 : i32
          %add3A_571 = arith.addi %mul3A_53, %add3A_570 : i32
          %add3A_572 = vector.broadcast %add3A_571 : i32 to vector<16xi32>
          %add3A_573 = arith.addi %iota3A, %add3A_572 : vector<16xi32>
          %jit3A_574 = arith.constant 1 : i32
          %jit3A_575 = arith.constant 0 : i32
          %broadcast_in_dim3A_576 = vector.broadcast %jit3A_574 : i32 to vector<16xi32>
          %broadcast_in_dim3A_577 = vector.broadcast %jit3A_575 : i32 to vector<16xi32>
          %select_n3A_578 = arith.select %eq3A_151, %broadcast_in_dim3A_576, %broadcast_in_dim3A_577 : vector<16xi1>, vector<16xi32>
          %broadcast_in_dim3A_579 = arith.constant true
          %broadcast_in_dim3A_580 = vector.broadcast %broadcast_in_dim3A_579 : i1 to vector<16xi1>
          %masked_cumsum3A_581 = tpu.scan <sum>, %select_n3A_578 masked %broadcast_in_dim3A_580 : vector<16xi32>, vector<16xi1> -> vector<16xi32>
          %add3A_582 = vector.broadcast %add3A_551 : i32 to vector<16xi32>
          %add3A_583 = arith.addi %add3A_582, %masked_cumsum3A_581 : vector<16xi32>
          %sub3A_584 = arith.constant 1 : i32
          %sub3A_585 = vector.broadcast %sub3A_584 : i32 to vector<16xi32>
          %sub3A_586 = arith.subi %add3A_583, %sub3A_585 : vector<16xi32>
          tpu.vector_store_idx %arg6[%sub3A_586], %add3A_573 masked %eq3A_151 : memref<4096xi32, #tpu.memory_space<vmem>>[vector<16xi32>], vector<16xi32>, vector<16xi1>
          %reduce_sum3A_587 = arith.constant true
          %reduce_sum3A_588 = vector.broadcast %reduce_sum3A_587 : i1 to vector<16xi1>
          %reduce_sum3A_589 = tpu.scan <sum>, %select_n3A_578 masked %reduce_sum3A_588 : vector<16xi32>, vector<16xi1> -> vector<16xi32>
          %reduce_sum3A_590 = vector.extract %reduce_sum3A_589[15] : i32 from vector<16xi32>
          %add3A_591 = arith.addi %add3A_551, %reduce_sum3A_590 : i32
          %jit3A_592 = arith.constant 1 : i32
          %jit3A_593 = arith.constant 0 : i32
          %broadcast_in_dim3A_594 = vector.broadcast %jit3A_592 : i32 to vector<16xi32>
          %broadcast_in_dim3A_595 = vector.broadcast %jit3A_593 : i32 to vector<16xi32>
          %select_n3A_596 = arith.select %eq3A_154, %broadcast_in_dim3A_594, %broadcast_in_dim3A_595 : vector<16xi1>, vector<16xi32>
          %broadcast_in_dim3A_597 = arith.constant true
          %broadcast_in_dim3A_598 = vector.broadcast %broadcast_in_dim3A_597 : i1 to vector<16xi1>
          %masked_cumsum3A_599 = tpu.scan <sum>, %select_n3A_596 masked %broadcast_in_dim3A_598 : vector<16xi32>, vector<16xi1> -> vector<16xi32>
          %add3A_600 = vector.broadcast %add3A_569 : i32 to vector<16xi32>
          %add3A_601 = arith.addi %add3A_600, %masked_cumsum3A_599 : vector<16xi32>
          %sub3A_602 = arith.constant 1 : i32
          %sub3A_603 = vector.broadcast %sub3A_602 : i32 to vector<16xi32>
          %sub3A_604 = arith.subi %add3A_601, %sub3A_603 : vector<16xi32>
          tpu.vector_store_idx %arg7[%sub3A_604], %add3A_573 masked %eq3A_154 : memref<4096xi32, #tpu.memory_space<vmem>>[vector<16xi32>], vector<16xi32>, vector<16xi1>
          %reduce_sum3A_605 = arith.constant true
          %reduce_sum3A_606 = vector.broadcast %reduce_sum3A_605 : i1 to vector<16xi1>
          %reduce_sum3A_607 = tpu.scan <sum>, %select_n3A_596 masked %reduce_sum3A_606 : vector<16xi32>, vector<16xi1> -> vector<16xi32>
          %reduce_sum3A_608 = vector.extract %reduce_sum3A_607[15] : i32 from vector<16xi32>
          %add3A_609 = arith.addi %add3A_569, %reduce_sum3A_608 : i32
          %add3A_610 = arith.constant 144 : i32
          %add3A_611 = arith.addi %mul3A_53, %add3A_610 : i32
          %add3A_612 = vector.broadcast %add3A_611 : i32 to vector<16xi32>
          %add3A_613 = arith.addi %iota3A, %add3A_612 : vector<16xi32>
          %jit3A_614 = arith.constant 1 : i32
          %jit3A_615 = arith.constant 0 : i32
          %broadcast_in_dim3A_616 = vector.broadcast %jit3A_614 : i32 to vector<16xi32>
          %broadcast_in_dim3A_617 = vector.broadcast %jit3A_615 : i32 to vector<16xi32>
          %select_n3A_618 = arith.select %eq3A_163, %broadcast_in_dim3A_616, %broadcast_in_dim3A_617 : vector<16xi1>, vector<16xi32>
          %broadcast_in_dim3A_619 = arith.constant true
          %broadcast_in_dim3A_620 = vector.broadcast %broadcast_in_dim3A_619 : i1 to vector<16xi1>
          %masked_cumsum3A_621 = tpu.scan <sum>, %select_n3A_618 masked %broadcast_in_dim3A_620 : vector<16xi32>, vector<16xi1> -> vector<16xi32>
          %add3A_622 = vector.broadcast %add3A_591 : i32 to vector<16xi32>
          %add3A_623 = arith.addi %add3A_622, %masked_cumsum3A_621 : vector<16xi32>
          %sub3A_624 = arith.constant 1 : i32
          %sub3A_625 = vector.broadcast %sub3A_624 : i32 to vector<16xi32>
          %sub3A_626 = arith.subi %add3A_623, %sub3A_625 : vector<16xi32>
          tpu.vector_store_idx %arg6[%sub3A_626], %add3A_613 masked %eq3A_163 : memref<4096xi32, #tpu.memory_space<vmem>>[vector<16xi32>], vector<16xi32>, vector<16xi1>
          %reduce_sum3A_627 = arith.constant true
          %reduce_sum3A_628 = vector.broadcast %reduce_sum3A_627 : i1 to vector<16xi1>
          %reduce_sum3A_629 = tpu.scan <sum>, %select_n3A_618 masked %reduce_sum3A_628 : vector<16xi32>, vector<16xi1> -> vector<16xi32>
          %reduce_sum3A_630 = vector.extract %reduce_sum3A_629[15] : i32 from vector<16xi32>
          %add3A_631 = arith.addi %add3A_591, %reduce_sum3A_630 : i32
          %jit3A_632 = arith.constant 1 : i32
          %jit3A_633 = arith.constant 0 : i32
          %broadcast_in_dim3A_634 = vector.broadcast %jit3A_632 : i32 to vector<16xi32>
          %broadcast_in_dim3A_635 = vector.broadcast %jit3A_633 : i32 to vector<16xi32>
          %select_n3A_636 = arith.select %eq3A_166, %broadcast_in_dim3A_634, %broadcast_in_dim3A_635 : vector<16xi1>, vector<16xi32>
          %broadcast_in_dim3A_637 = arith.constant true
          %broadcast_in_dim3A_638 = vector.broadcast %broadcast_in_dim3A_637 : i1 to vector<16xi1>
          %masked_cumsum3A_639 = tpu.scan <sum>, %select_n3A_636 masked %broadcast_in_dim3A_638 : vector<16xi32>, vector<16xi1> -> vector<16xi32>
          %add3A_640 = vector.broadcast %add3A_609 : i32 to vector<16xi32>
          %add3A_641 = arith.addi %add3A_640, %masked_cumsum3A_639 : vector<16xi32>
          %sub3A_642 = arith.constant 1 : i32
          %sub3A_643 = vector.broadcast %sub3A_642 : i32 to vector<16xi32>
          %sub3A_644 = arith.subi %add3A_641, %sub3A_643 : vector<16xi32>
          tpu.vector_store_idx %arg7[%sub3A_644], %add3A_613 masked %eq3A_166 : memref<4096xi32, #tpu.memory_space<vmem>>[vector<16xi32>], vector<16xi32>, vector<16xi1>
          %reduce_sum3A_645 = arith.constant true
          %reduce_sum3A_646 = vector.broadcast %reduce_sum3A_645 : i1 to vector<16xi1>
          %reduce_sum3A_647 = tpu.scan <sum>, %select_n3A_636 masked %reduce_sum3A_646 : vector<16xi32>, vector<16xi1> -> vector<16xi32>
          %reduce_sum3A_648 = vector.extract %reduce_sum3A_647[15] : i32 from vector<16xi32>
          %add3A_649 = arith.addi %add3A_609, %reduce_sum3A_648 : i32
          %add3A_650 = arith.constant 160 : i32
          %add3A_651 = arith.addi %mul3A_53, %add3A_650 : i32
          %add3A_652 = vector.broadcast %add3A_651 : i32 to vector<16xi32>
          %add3A_653 = arith.addi %iota3A, %add3A_652 : vector<16xi32>
          %jit3A_654 = arith.constant 1 : i32
          %jit3A_655 = arith.constant 0 : i32
          %broadcast_in_dim3A_656 = vector.broadcast %jit3A_654 : i32 to vector<16xi32>
          %broadcast_in_dim3A_657 = vector.broadcast %jit3A_655 : i32 to vector<16xi32>
          %select_n3A_658 = arith.select %eq3A_175, %broadcast_in_dim3A_656, %broadcast_in_dim3A_657 : vector<16xi1>, vector<16xi32>
          %broadcast_in_dim3A_659 = arith.constant true
          %broadcast_in_dim3A_660 = vector.broadcast %broadcast_in_dim3A_659 : i1 to vector<16xi1>
          %masked_cumsum3A_661 = tpu.scan <sum>, %select_n3A_658 masked %broadcast_in_dim3A_660 : vector<16xi32>, vector<16xi1> -> vector<16xi32>
          %add3A_662 = vector.broadcast %add3A_631 : i32 to vector<16xi32>
          %add3A_663 = arith.addi %add3A_662, %masked_cumsum3A_661 : vector<16xi32>
          %sub3A_664 = arith.constant 1 : i32
          %sub3A_665 = vector.broadcast %sub3A_664 : i32 to vector<16xi32>
          %sub3A_666 = arith.subi %add3A_663, %sub3A_665 : vector<16xi32>
          tpu.vector_store_idx %arg6[%sub3A_666], %add3A_653 masked %eq3A_175 : memref<4096xi32, #tpu.memory_space<vmem>>[vector<16xi32>], vector<16xi32>, vector<16xi1>
          %reduce_sum3A_667 = arith.constant true
          %reduce_sum3A_668 = vector.broadcast %reduce_sum3A_667 : i1 to vector<16xi1>
          %reduce_sum3A_669 = tpu.scan <sum>, %select_n3A_658 masked %reduce_sum3A_668 : vector<16xi32>, vector<16xi1> -> vector<16xi32>
          %reduce_sum3A_670 = vector.extract %reduce_sum3A_669[15] : i32 from vector<16xi32>
          %add3A_671 = arith.addi %add3A_631, %reduce_sum3A_670 : i32
          %jit3A_672 = arith.constant 1 : i32
          %jit3A_673 = arith.constant 0 : i32
          %broadcast_in_dim3A_674 = vector.broadcast %jit3A_672 : i32 to vector<16xi32>
          %broadcast_in_dim3A_675 = vector.broadcast %jit3A_673 : i32 to vector<16xi32>
          %select_n3A_676 = arith.select %eq3A_178, %broadcast_in_dim3A_674, %broadcast_in_dim3A_675 : vector<16xi1>, vector<16xi32>
          %broadcast_in_dim3A_677 = arith.constant true
          %broadcast_in_dim3A_678 = vector.broadcast %broadcast_in_dim3A_677 : i1 to vector<16xi1>
          %masked_cumsum3A_679 = tpu.scan <sum>, %select_n3A_676 masked %broadcast_in_dim3A_678 : vector<16xi32>, vector<16xi1> -> vector<16xi32>
          %add3A_680 = vector.broadcast %add3A_649 : i32 to vector<16xi32>
          %add3A_681 = arith.addi %add3A_680, %masked_cumsum3A_679 : vector<16xi32>
          %sub3A_682 = arith.constant 1 : i32
          %sub3A_683 = vector.broadcast %sub3A_682 : i32 to vector<16xi32>
          %sub3A_684 = arith.subi %add3A_681, %sub3A_683 : vector<16xi32>
          tpu.vector_store_idx %arg7[%sub3A_684], %add3A_653 masked %eq3A_178 : memref<4096xi32, #tpu.memory_space<vmem>>[vector<16xi32>], vector<16xi32>, vector<16xi1>
          %reduce_sum3A_685 = arith.constant true
          %reduce_sum3A_686 = vector.broadcast %reduce_sum3A_685 : i1 to vector<16xi1>
          %reduce_sum3A_687 = tpu.scan <sum>, %select_n3A_676 masked %reduce_sum3A_686 : vector<16xi32>, vector<16xi1> -> vector<16xi32>
          %reduce_sum3A_688 = vector.extract %reduce_sum3A_687[15] : i32 from vector<16xi32>
          %add3A_689 = arith.addi %add3A_649, %reduce_sum3A_688 : i32
          %add3A_690 = arith.constant 176 : i32
          %add3A_691 = arith.addi %mul3A_53, %add3A_690 : i32
          %add3A_692 = vector.broadcast %add3A_691 : i32 to vector<16xi32>
          %add3A_693 = arith.addi %iota3A, %add3A_692 : vector<16xi32>
          %jit3A_694 = arith.constant 1 : i32
          %jit3A_695 = arith.constant 0 : i32
          %broadcast_in_dim3A_696 = vector.broadcast %jit3A_694 : i32 to vector<16xi32>
          %broadcast_in_dim3A_697 = vector.broadcast %jit3A_695 : i32 to vector<16xi32>
          %select_n3A_698 = arith.select %eq3A_187, %broadcast_in_dim3A_696, %broadcast_in_dim3A_697 : vector<16xi1>, vector<16xi32>
          %broadcast_in_dim3A_699 = arith.constant true
          %broadcast_in_dim3A_700 = vector.broadcast %broadcast_in_dim3A_699 : i1 to vector<16xi1>
          %masked_cumsum3A_701 = tpu.scan <sum>, %select_n3A_698 masked %broadcast_in_dim3A_700 : vector<16xi32>, vector<16xi1> -> vector<16xi32>
          %add3A_702 = vector.broadcast %add3A_671 : i32 to vector<16xi32>
          %add3A_703 = arith.addi %add3A_702, %masked_cumsum3A_701 : vector<16xi32>
          %sub3A_704 = arith.constant 1 : i32
          %sub3A_705 = vector.broadcast %sub3A_704 : i32 to vector<16xi32>
          %sub3A_706 = arith.subi %add3A_703, %sub3A_705 : vector<16xi32>
          tpu.vector_store_idx %arg6[%sub3A_706], %add3A_693 masked %eq3A_187 : memref<4096xi32, #tpu.memory_space<vmem>>[vector<16xi32>], vector<16xi32>, vector<16xi1>
          %reduce_sum3A_707 = arith.constant true
          %reduce_sum3A_708 = vector.broadcast %reduce_sum3A_707 : i1 to vector<16xi1>
          %reduce_sum3A_709 = tpu.scan <sum>, %select_n3A_698 masked %reduce_sum3A_708 : vector<16xi32>, vector<16xi1> -> vector<16xi32>
          %reduce_sum3A_710 = vector.extract %reduce_sum3A_709[15] : i32 from vector<16xi32>
          %add3A_711 = arith.addi %add3A_671, %reduce_sum3A_710 : i32
          %jit3A_712 = arith.constant 1 : i32
          %jit3A_713 = arith.constant 0 : i32
          %broadcast_in_dim3A_714 = vector.broadcast %jit3A_712 : i32 to vector<16xi32>
          %broadcast_in_dim3A_715 = vector.broadcast %jit3A_713 : i32 to vector<16xi32>
          %select_n3A_716 = arith.select %eq3A_190, %broadcast_in_dim3A_714, %broadcast_in_dim3A_715 : vector<16xi1>, vector<16xi32>
          %broadcast_in_dim3A_717 = arith.constant true
          %broadcast_in_dim3A_718 = vector.broadcast %broadcast_in_dim3A_717 : i1 to vector<16xi1>
          %masked_cumsum3A_719 = tpu.scan <sum>, %select_n3A_716 masked %broadcast_in_dim3A_718 : vector<16xi32>, vector<16xi1> -> vector<16xi32>
          %add3A_720 = vector.broadcast %add3A_689 : i32 to vector<16xi32>
          %add3A_721 = arith.addi %add3A_720, %masked_cumsum3A_719 : vector<16xi32>
          %sub3A_722 = arith.constant 1 : i32
          %sub3A_723 = vector.broadcast %sub3A_722 : i32 to vector<16xi32>
          %sub3A_724 = arith.subi %add3A_721, %sub3A_723 : vector<16xi32>
          tpu.vector_store_idx %arg7[%sub3A_724], %add3A_693 masked %eq3A_190 : memref<4096xi32, #tpu.memory_space<vmem>>[vector<16xi32>], vector<16xi32>, vector<16xi1>
          %reduce_sum3A_725 = arith.constant true
          %reduce_sum3A_726 = vector.broadcast %reduce_sum3A_725 : i1 to vector<16xi1>
          %reduce_sum3A_727 = tpu.scan <sum>, %select_n3A_716 masked %reduce_sum3A_726 : vector<16xi32>, vector<16xi1> -> vector<16xi32>
          %reduce_sum3A_728 = vector.extract %reduce_sum3A_727[15] : i32 from vector<16xi32>
          %add3A_729 = arith.addi %add3A_689, %reduce_sum3A_728 : i32
          %add3A_730 = arith.constant 192 : i32
          %add3A_731 = arith.addi %mul3A_53, %add3A_730 : i32
          %add3A_732 = vector.broadcast %add3A_731 : i32 to vector<16xi32>
          %add3A_733 = arith.addi %iota3A, %add3A_732 : vector<16xi32>
          %jit3A_734 = arith.constant 1 : i32
          %jit3A_735 = arith.constant 0 : i32
          %broadcast_in_dim3A_736 = vector.broadcast %jit3A_734 : i32 to vector<16xi32>
          %broadcast_in_dim3A_737 = vector.broadcast %jit3A_735 : i32 to vector<16xi32>
          %select_n3A_738 = arith.select %eq3A_199, %broadcast_in_dim3A_736, %broadcast_in_dim3A_737 : vector<16xi1>, vector<16xi32>
          %broadcast_in_dim3A_739 = arith.constant true
          %broadcast_in_dim3A_740 = vector.broadcast %broadcast_in_dim3A_739 : i1 to vector<16xi1>
          %masked_cumsum3A_741 = tpu.scan <sum>, %select_n3A_738 masked %broadcast_in_dim3A_740 : vector<16xi32>, vector<16xi1> -> vector<16xi32>
          %add3A_742 = vector.broadcast %add3A_711 : i32 to vector<16xi32>
          %add3A_743 = arith.addi %add3A_742, %masked_cumsum3A_741 : vector<16xi32>
          %sub3A_744 = arith.constant 1 : i32
          %sub3A_745 = vector.broadcast %sub3A_744 : i32 to vector<16xi32>
          %sub3A_746 = arith.subi %add3A_743, %sub3A_745 : vector<16xi32>
          tpu.vector_store_idx %arg6[%sub3A_746], %add3A_733 masked %eq3A_199 : memref<4096xi32, #tpu.memory_space<vmem>>[vector<16xi32>], vector<16xi32>, vector<16xi1>
          %reduce_sum3A_747 = arith.constant true
          %reduce_sum3A_748 = vector.broadcast %reduce_sum3A_747 : i1 to vector<16xi1>
          %reduce_sum3A_749 = tpu.scan <sum>, %select_n3A_738 masked %reduce_sum3A_748 : vector<16xi32>, vector<16xi1> -> vector<16xi32>
          %reduce_sum3A_750 = vector.extract %reduce_sum3A_749[15] : i32 from vector<16xi32>
          %add3A_751 = arith.addi %add3A_711, %reduce_sum3A_750 : i32
          %jit3A_752 = arith.constant 1 : i32
          %jit3A_753 = arith.constant 0 : i32
          %broadcast_in_dim3A_754 = vector.broadcast %jit3A_752 : i32 to vector<16xi32>
          %broadcast_in_dim3A_755 = vector.broadcast %jit3A_753 : i32 to vector<16xi32>
          %select_n3A_756 = arith.select %eq3A_202, %broadcast_in_dim3A_754, %broadcast_in_dim3A_755 : vector<16xi1>, vector<16xi32>
          %broadcast_in_dim3A_757 = arith.constant true
          %broadcast_in_dim3A_758 = vector.broadcast %broadcast_in_dim3A_757 : i1 to vector<16xi1>
          %masked_cumsum3A_759 = tpu.scan <sum>, %select_n3A_756 masked %broadcast_in_dim3A_758 : vector<16xi32>, vector<16xi1> -> vector<16xi32>
          %add3A_760 = vector.broadcast %add3A_729 : i32 to vector<16xi32>
          %add3A_761 = arith.addi %add3A_760, %masked_cumsum3A_759 : vector<16xi32>
          %sub3A_762 = arith.constant 1 : i32
          %sub3A_763 = vector.broadcast %sub3A_762 : i32 to vector<16xi32>
          %sub3A_764 = arith.subi %add3A_761, %sub3A_763 : vector<16xi32>
          tpu.vector_store_idx %arg7[%sub3A_764], %add3A_733 masked %eq3A_202 : memref<4096xi32, #tpu.memory_space<vmem>>[vector<16xi32>], vector<16xi32>, vector<16xi1>
          %reduce_sum3A_765 = arith.constant true
          %reduce_sum3A_766 = vector.broadcast %reduce_sum3A_765 : i1 to vector<16xi1>
          %reduce_sum3A_767 = tpu.scan <sum>, %select_n3A_756 masked %reduce_sum3A_766 : vector<16xi32>, vector<16xi1> -> vector<16xi32>
          %reduce_sum3A_768 = vector.extract %reduce_sum3A_767[15] : i32 from vector<16xi32>
          %add3A_769 = arith.addi %add3A_729, %reduce_sum3A_768 : i32
          %add3A_770 = arith.constant 208 : i32
          %add3A_771 = arith.addi %mul3A_53, %add3A_770 : i32
          %add3A_772 = vector.broadcast %add3A_771 : i32 to vector<16xi32>
          %add3A_773 = arith.addi %iota3A, %add3A_772 : vector<16xi32>
          %jit3A_774 = arith.constant 1 : i32
          %jit3A_775 = arith.constant 0 : i32
          %broadcast_in_dim3A_776 = vector.broadcast %jit3A_774 : i32 to vector<16xi32>
          %broadcast_in_dim3A_777 = vector.broadcast %jit3A_775 : i32 to vector<16xi32>
          %select_n3A_778 = arith.select %eq3A_211, %broadcast_in_dim3A_776, %broadcast_in_dim3A_777 : vector<16xi1>, vector<16xi32>
          %broadcast_in_dim3A_779 = arith.constant true
          %broadcast_in_dim3A_780 = vector.broadcast %broadcast_in_dim3A_779 : i1 to vector<16xi1>
          %masked_cumsum3A_781 = tpu.scan <sum>, %select_n3A_778 masked %broadcast_in_dim3A_780 : vector<16xi32>, vector<16xi1> -> vector<16xi32>
          %add3A_782 = vector.broadcast %add3A_751 : i32 to vector<16xi32>
          %add3A_783 = arith.addi %add3A_782, %masked_cumsum3A_781 : vector<16xi32>
          %sub3A_784 = arith.constant 1 : i32
          %sub3A_785 = vector.broadcast %sub3A_784 : i32 to vector<16xi32>
          %sub3A_786 = arith.subi %add3A_783, %sub3A_785 : vector<16xi32>
          tpu.vector_store_idx %arg6[%sub3A_786], %add3A_773 masked %eq3A_211 : memref<4096xi32, #tpu.memory_space<vmem>>[vector<16xi32>], vector<16xi32>, vector<16xi1>
          %reduce_sum3A_787 = arith.constant true
          %reduce_sum3A_788 = vector.broadcast %reduce_sum3A_787 : i1 to vector<16xi1>
          %reduce_sum3A_789 = tpu.scan <sum>, %select_n3A_778 masked %reduce_sum3A_788 : vector<16xi32>, vector<16xi1> -> vector<16xi32>
          %reduce_sum3A_790 = vector.extract %reduce_sum3A_789[15] : i32 from vector<16xi32>
          %add3A_791 = arith.addi %add3A_751, %reduce_sum3A_790 : i32
          %jit3A_792 = arith.constant 1 : i32
          %jit3A_793 = arith.constant 0 : i32
          %broadcast_in_dim3A_794 = vector.broadcast %jit3A_792 : i32 to vector<16xi32>
          %broadcast_in_dim3A_795 = vector.broadcast %jit3A_793 : i32 to vector<16xi32>
          %select_n3A_796 = arith.select %eq3A_214, %broadcast_in_dim3A_794, %broadcast_in_dim3A_795 : vector<16xi1>, vector<16xi32>
          %broadcast_in_dim3A_797 = arith.constant true
          %broadcast_in_dim3A_798 = vector.broadcast %broadcast_in_dim3A_797 : i1 to vector<16xi1>
          %masked_cumsum3A_799 = tpu.scan <sum>, %select_n3A_796 masked %broadcast_in_dim3A_798 : vector<16xi32>, vector<16xi1> -> vector<16xi32>
          %add3A_800 = vector.broadcast %add3A_769 : i32 to vector<16xi32>
          %add3A_801 = arith.addi %add3A_800, %masked_cumsum3A_799 : vector<16xi32>
          %sub3A_802 = arith.constant 1 : i32
          %sub3A_803 = vector.broadcast %sub3A_802 : i32 to vector<16xi32>
          %sub3A_804 = arith.subi %add3A_801, %sub3A_803 : vector<16xi32>
          tpu.vector_store_idx %arg7[%sub3A_804], %add3A_773 masked %eq3A_214 : memref<4096xi32, #tpu.memory_space<vmem>>[vector<16xi32>], vector<16xi32>, vector<16xi1>
          %reduce_sum3A_805 = arith.constant true
          %reduce_sum3A_806 = vector.broadcast %reduce_sum3A_805 : i1 to vector<16xi1>
          %reduce_sum3A_807 = tpu.scan <sum>, %select_n3A_796 masked %reduce_sum3A_806 : vector<16xi32>, vector<16xi1> -> vector<16xi32>
          %reduce_sum3A_808 = vector.extract %reduce_sum3A_807[15] : i32 from vector<16xi32>
          %add3A_809 = arith.addi %add3A_769, %reduce_sum3A_808 : i32
          %add3A_810 = arith.constant 224 : i32
          %add3A_811 = arith.addi %mul3A_53, %add3A_810 : i32
          %add3A_812 = vector.broadcast %add3A_811 : i32 to vector<16xi32>
          %add3A_813 = arith.addi %iota3A, %add3A_812 : vector<16xi32>
          %jit3A_814 = arith.constant 1 : i32
          %jit3A_815 = arith.constant 0 : i32
          %broadcast_in_dim3A_816 = vector.broadcast %jit3A_814 : i32 to vector<16xi32>
          %broadcast_in_dim3A_817 = vector.broadcast %jit3A_815 : i32 to vector<16xi32>
          %select_n3A_818 = arith.select %eq3A_223, %broadcast_in_dim3A_816, %broadcast_in_dim3A_817 : vector<16xi1>, vector<16xi32>
          %broadcast_in_dim3A_819 = arith.constant true
          %broadcast_in_dim3A_820 = vector.broadcast %broadcast_in_dim3A_819 : i1 to vector<16xi1>
          %masked_cumsum3A_821 = tpu.scan <sum>, %select_n3A_818 masked %broadcast_in_dim3A_820 : vector<16xi32>, vector<16xi1> -> vector<16xi32>
          %add3A_822 = vector.broadcast %add3A_791 : i32 to vector<16xi32>
          %add3A_823 = arith.addi %add3A_822, %masked_cumsum3A_821 : vector<16xi32>
          %sub3A_824 = arith.constant 1 : i32
          %sub3A_825 = vector.broadcast %sub3A_824 : i32 to vector<16xi32>
          %sub3A_826 = arith.subi %add3A_823, %sub3A_825 : vector<16xi32>
          tpu.vector_store_idx %arg6[%sub3A_826], %add3A_813 masked %eq3A_223 : memref<4096xi32, #tpu.memory_space<vmem>>[vector<16xi32>], vector<16xi32>, vector<16xi1>
          %reduce_sum3A_827 = arith.constant true
          %reduce_sum3A_828 = vector.broadcast %reduce_sum3A_827 : i1 to vector<16xi1>
          %reduce_sum3A_829 = tpu.scan <sum>, %select_n3A_818 masked %reduce_sum3A_828 : vector<16xi32>, vector<16xi1> -> vector<16xi32>
          %reduce_sum3A_830 = vector.extract %reduce_sum3A_829[15] : i32 from vector<16xi32>
          %add3A_831 = arith.addi %add3A_791, %reduce_sum3A_830 : i32
          %jit3A_832 = arith.constant 1 : i32
          %jit3A_833 = arith.constant 0 : i32
          %broadcast_in_dim3A_834 = vector.broadcast %jit3A_832 : i32 to vector<16xi32>
          %broadcast_in_dim3A_835 = vector.broadcast %jit3A_833 : i32 to vector<16xi32>
          %select_n3A_836 = arith.select %eq3A_226, %broadcast_in_dim3A_834, %broadcast_in_dim3A_835 : vector<16xi1>, vector<16xi32>
          %broadcast_in_dim3A_837 = arith.constant true
          %broadcast_in_dim3A_838 = vector.broadcast %broadcast_in_dim3A_837 : i1 to vector<16xi1>
          %masked_cumsum3A_839 = tpu.scan <sum>, %select_n3A_836 masked %broadcast_in_dim3A_838 : vector<16xi32>, vector<16xi1> -> vector<16xi32>
          %add3A_840 = vector.broadcast %add3A_809 : i32 to vector<16xi32>
          %add3A_841 = arith.addi %add3A_840, %masked_cumsum3A_839 : vector<16xi32>
          %sub3A_842 = arith.constant 1 : i32
          %sub3A_843 = vector.broadcast %sub3A_842 : i32 to vector<16xi32>
          %sub3A_844 = arith.subi %add3A_841, %sub3A_843 : vector<16xi32>
          tpu.vector_store_idx %arg7[%sub3A_844], %add3A_813 masked %eq3A_226 : memref<4096xi32, #tpu.memory_space<vmem>>[vector<16xi32>], vector<16xi32>, vector<16xi1>
          %reduce_sum3A_845 = arith.constant true
          %reduce_sum3A_846 = vector.broadcast %reduce_sum3A_845 : i1 to vector<16xi1>
          %reduce_sum3A_847 = tpu.scan <sum>, %select_n3A_836 masked %reduce_sum3A_846 : vector<16xi32>, vector<16xi1> -> vector<16xi32>
          %reduce_sum3A_848 = vector.extract %reduce_sum3A_847[15] : i32 from vector<16xi32>
          %add3A_849 = arith.addi %add3A_809, %reduce_sum3A_848 : i32
          %add3A_850 = arith.constant 240 : i32
          %add3A_851 = arith.addi %mul3A_53, %add3A_850 : i32
          %add3A_852 = vector.broadcast %add3A_851 : i32 to vector<16xi32>
          %add3A_853 = arith.addi %iota3A, %add3A_852 : vector<16xi32>
          %jit3A_854 = arith.constant 1 : i32
          %jit3A_855 = arith.constant 0 : i32
          %broadcast_in_dim3A_856 = vector.broadcast %jit3A_854 : i32 to vector<16xi32>
          %broadcast_in_dim3A_857 = vector.broadcast %jit3A_855 : i32 to vector<16xi32>
          %select_n3A_858 = arith.select %eq3A_235, %broadcast_in_dim3A_856, %broadcast_in_dim3A_857 : vector<16xi1>, vector<16xi32>
          %broadcast_in_dim3A_859 = arith.constant true
          %broadcast_in_dim3A_860 = vector.broadcast %broadcast_in_dim3A_859 : i1 to vector<16xi1>
          %masked_cumsum3A_861 = tpu.scan <sum>, %select_n3A_858 masked %broadcast_in_dim3A_860 : vector<16xi32>, vector<16xi1> -> vector<16xi32>
          %add3A_862 = vector.broadcast %add3A_831 : i32 to vector<16xi32>
          %add3A_863 = arith.addi %add3A_862, %masked_cumsum3A_861 : vector<16xi32>
          %sub3A_864 = arith.constant 1 : i32
          %sub3A_865 = vector.broadcast %sub3A_864 : i32 to vector<16xi32>
          %sub3A_866 = arith.subi %add3A_863, %sub3A_865 : vector<16xi32>
          tpu.vector_store_idx %arg6[%sub3A_866], %add3A_853 masked %eq3A_235 : memref<4096xi32, #tpu.memory_space<vmem>>[vector<16xi32>], vector<16xi32>, vector<16xi1>
          %reduce_sum3A_867 = arith.constant true
          %reduce_sum3A_868 = vector.broadcast %reduce_sum3A_867 : i1 to vector<16xi1>
          %reduce_sum3A_869 = tpu.scan <sum>, %select_n3A_858 masked %reduce_sum3A_868 : vector<16xi32>, vector<16xi1> -> vector<16xi32>
          %reduce_sum3A_870 = vector.extract %reduce_sum3A_869[15] : i32 from vector<16xi32>
          %add3A_871 = arith.addi %add3A_831, %reduce_sum3A_870 : i32
          %jit3A_872 = arith.constant 1 : i32
          %jit3A_873 = arith.constant 0 : i32
          %broadcast_in_dim3A_874 = vector.broadcast %jit3A_872 : i32 to vector<16xi32>
          %broadcast_in_dim3A_875 = vector.broadcast %jit3A_873 : i32 to vector<16xi32>
          %select_n3A_876 = arith.select %eq3A_238, %broadcast_in_dim3A_874, %broadcast_in_dim3A_875 : vector<16xi1>, vector<16xi32>
          %broadcast_in_dim3A_877 = arith.constant true
          %broadcast_in_dim3A_878 = vector.broadcast %broadcast_in_dim3A_877 : i1 to vector<16xi1>
          %masked_cumsum3A_879 = tpu.scan <sum>, %select_n3A_876 masked %broadcast_in_dim3A_878 : vector<16xi32>, vector<16xi1> -> vector<16xi32>
          %add3A_880 = vector.broadcast %add3A_849 : i32 to vector<16xi32>
          %add3A_881 = arith.addi %add3A_880, %masked_cumsum3A_879 : vector<16xi32>
          %sub3A_882 = arith.constant 1 : i32
          %sub3A_883 = vector.broadcast %sub3A_882 : i32 to vector<16xi32>
          %sub3A_884 = arith.subi %add3A_881, %sub3A_883 : vector<16xi32>
          tpu.vector_store_idx %arg7[%sub3A_884], %add3A_853 masked %eq3A_238 : memref<4096xi32, #tpu.memory_space<vmem>>[vector<16xi32>], vector<16xi32>, vector<16xi1>
          %reduce_sum3A_885 = arith.constant true
          %reduce_sum3A_886 = vector.broadcast %reduce_sum3A_885 : i1 to vector<16xi1>
          %reduce_sum3A_887 = tpu.scan <sum>, %select_n3A_876 masked %reduce_sum3A_886 : vector<16xi32>, vector<16xi1> -> vector<16xi32>
          %reduce_sum3A_888 = vector.extract %reduce_sum3A_887[15] : i32 from vector<16xi32>
          %add3A_889 = arith.addi %add3A_849, %reduce_sum3A_888 : i32
          scf.yield %add3A_871, %add3A_889 : i32, i32
        } else {
          scf.yield %scan3A_51, %scan3A_52 : i32, i32
        }
        scf.yield %cond3A_254#0, %cond3A_254#1 : i32, i32
      }
      %scan3A_25 = arith.constant 16 : i32
      %dma_start3A_26 = arith.constant 0 : i32
      %dma_start3A_27 = tpu.memref_slice %arg3[%arg1, %dma_start3A_26] : memref<16x4096xi32, #tpu.memory_space<hbm>> -> memref<1x4096xi32, #tpu.memory_space<hbm>>
      %dma_start3A_28 = tpu.memref_squeeze %dma_start3A_27 : memref<1x4096xi32, #tpu.memory_space<hbm>> -> memref<4096xi32, #tpu.memory_space<hbm>>
      %dma_start3A_29 = arith.constant 0 : i32
      %dma_start3A_30 = tpu.memref_slice %arg3[%arg1, %dma_start3A_29] : memref<16x4096xi32, #tpu.memory_space<hbm>> -> memref<1x4096xi32, #tpu.memory_space<hbm>>
      %dma_start3A_31 = tpu.memref_squeeze %dma_start3A_30 : memref<1x4096xi32, #tpu.memory_space<hbm>> -> memref<4096xi32, #tpu.memory_space<hbm>>
      tpu.enqueue_dma source(%arg6 : memref<4096xi32, #tpu.memory_space<vmem>>) target(%dma_start3A_31 : memref<4096xi32, #tpu.memory_space<hbm>>) target_semaphore(%arg9 : memref<!tpu.dma_semaphore, #tpu.memory_space<semaphore_mem>>)
      %dma_start3A_32 = arith.constant 0 : i32
      %dma_start3A_33 = tpu.memref_slice %arg4[%arg1, %dma_start3A_32] : memref<16x4096xi32, #tpu.memory_space<hbm>> -> memref<1x4096xi32, #tpu.memory_space<hbm>>
      %dma_start3A_34 = tpu.memref_squeeze %dma_start3A_33 : memref<1x4096xi32, #tpu.memory_space<hbm>> -> memref<4096xi32, #tpu.memory_space<hbm>>
      %dma_start3A_35 = arith.constant 0 : i32
      %dma_start3A_36 = tpu.memref_slice %arg4[%arg1, %dma_start3A_35] : memref<16x4096xi32, #tpu.memory_space<hbm>> -> memref<1x4096xi32, #tpu.memory_space<hbm>>
      %dma_start3A_37 = tpu.memref_squeeze %dma_start3A_36 : memref<1x4096xi32, #tpu.memory_space<hbm>> -> memref<4096xi32, #tpu.memory_space<hbm>>
      tpu.enqueue_dma source(%arg7 : memref<4096xi32, #tpu.memory_space<vmem>>) target(%dma_start3A_37 : memref<4096xi32, #tpu.memory_space<hbm>>) target_semaphore(%arg9 : memref<!tpu.dma_semaphore, #tpu.memory_space<semaphore_mem>>)
      %dma_wait3A_38 = arith.constant 0 : i32
      %dma_wait3A_39 = tpu.memref_slice %arg3[%arg1, %dma_wait3A_38] : memref<16x4096xi32, #tpu.memory_space<hbm>> -> memref<1x4096xi32, #tpu.memory_space<hbm>>
      %dma_wait3A_40 = tpu.memref_squeeze %dma_wait3A_39 : memref<1x4096xi32, #tpu.memory_space<hbm>> -> memref<4096xi32, #tpu.memory_space<hbm>>
      %dma_wait3A_41 = arith.constant 0 : i32
      %dma_wait3A_42 = tpu.memref_slice %arg3[%arg1, %dma_wait3A_41] : memref<16x4096xi32, #tpu.memory_space<hbm>> -> memref<1x4096xi32, #tpu.memory_space<hbm>>
      %dma_wait3A_43 = tpu.memref_squeeze %dma_wait3A_42 : memref<1x4096xi32, #tpu.memory_space<hbm>> -> memref<4096xi32, #tpu.memory_space<hbm>>
      tpu.wait_dma2 semaphore(%arg9 : memref<!tpu.dma_semaphore, #tpu.memory_space<semaphore_mem>>) src(%arg6 : memref<4096xi32, #tpu.memory_space<vmem>>) dst(%dma_wait3A_43 : memref<4096xi32, #tpu.memory_space<hbm>>)
      %dma_wait3A_44 = arith.constant 0 : i32
      %dma_wait3A_45 = tpu.memref_slice %arg4[%arg1, %dma_wait3A_44] : memref<16x4096xi32, #tpu.memory_space<hbm>> -> memref<1x4096xi32, #tpu.memory_space<hbm>>
      %dma_wait3A_46 = tpu.memref_squeeze %dma_wait3A_45 : memref<1x4096xi32, #tpu.memory_space<hbm>> -> memref<4096xi32, #tpu.memory_space<hbm>>
      %dma_wait3A_47 = arith.constant 0 : i32
      %dma_wait3A_48 = tpu.memref_slice %arg4[%arg1, %dma_wait3A_47] : memref<16x4096xi32, #tpu.memory_space<hbm>> -> memref<1x4096xi32, #tpu.memory_space<hbm>>
      %dma_wait3A_49 = tpu.memref_squeeze %dma_wait3A_48 : memref<1x4096xi32, #tpu.memory_space<hbm>> -> memref<4096xi32, #tpu.memory_space<hbm>>
      tpu.wait_dma2 semaphore(%arg9 : memref<!tpu.dma_semaphore, #tpu.memory_space<semaphore_mem>>) src(%arg7 : memref<4096xi32, #tpu.memory_space<vmem>>) dst(%dma_wait3A_49 : memref<4096xi32, #tpu.memory_space<hbm>>)
    } else {
    }
    return
  }
}

</mosaic_0001>

<sc_bundles>
// kernel: kernel.3.cloned.1.call-start
scs
__scs_entry_jumppad:
0x0: {  	(pc) =	sbr.rel $0x88, $3  }
0x1: {  	(tag) =	ssettag $0x0;
	lr =	simm.s32 $0x1  }
0x2: {  	[smem:$0x3FA0] =	sst lr;
	_ =	strace $0xD0000000  }
0x3: {  	_ = 	snop  }
0x4: {  	_ = 	snop  }
0x5: {  	_ = 	snop  }
0x6: {  	_ = 	snop  }
0x7: {  	_ = 	snop  }
__scs_overlays_trampoline_lowered:
0x8: {  	[smem:$0x3FAF] =	sst s0  }
0x9: {  	[smem:$0x3FB0] =	sst s1  }
0xa: {  	[smem:$0x3FB1] =	sst s2  }
0xb: {  	[smem:$0x3FB2] =	sst s3  }
0xc: {  	[smem:$0x3FB3] =	sst s4  }
0xd: {  	[smem:$0x3FB4] =	sst s5  }
0xe: {  	[smem:$0x3FB5] =	sst s6  }
0xf: {  	[smem:$0x3FB6] =	sst s7  }
0x10: {  	[smem:$0x3FB7] =	sst s8  }
0x11: {  	[smem:$0x3FB8] =	sst s9;
	s0 =	simm.s32 @!p0 $0x0  }
0x12: {  	s1 =	sld [smem:$0x3F9E];
	s0 =	simm.s32 @p0 $0x1  }
0x13: {  	[smem:$0x3FB9] =	sst s0;
	s0 =	simm.s32 @!p1 $0x0  }
0x14: {  	s2 =	sld [smem:$0x3F9D];
	s0 =	simm.s32 @p1 $0x1  }
0x15: {  	[smem:$0x3FBA] =	sst s0;
	s0 =	simm.s32 @!p2 $0x0  }
0x16: {  	s3 =	sld [smem:$0x3FDB];
	s0 =	simm.s32 @p2 $0x1  }
0x17: {  	s4 =	simm.s32 $0x1BF5;
	[smem:$0x3FBC] =	sst s0  }
0x18: {  	s0 =	sld [smem:$0x3F9F];
	_ =	swait.ge [sflag:s4], $0x0  }
0x19: {  	s7 =	sld [smem:$0x3FA0]  }
0x1a: {  	s8 =	sadd.s32 $0xFFFFE003, lr  }
0x1b: {  	s9 =	sadd.s32 $0xFFFFFEF7, lr;
	s5 =	simm.s32 $0xFFFFFFFF;
	p2 =	slt.u32 s8, $0xFFFFF086  }
0x1c: {  	p1 =	slt.u32 s9, $0xF7A;
	s5 =	simm.s32 @!p2 $0x0  }
0x1d: {  	s5 =	simm.s32 @p1 $0x1;
	p0 =	seq.s32 s7, s2  }
0x1e: {  	s7 =	smul.u32 @!p0 $0xF7A, s2;
	p2 =	seq.s32 @!p0 s5, $0x0  }
0x1f: {  	s9 =	smul.u32 $0xF7A, s1;
	s8 =	simm.s32 @!p0 $0x1BF5;
	p2 =	por !p2, p0  }
0x20: {  	[sflag:s8] =	ssyncset.s32 @!p0 $0xFFFFF086;
	s6 =	sadd.s32 @!p0 s3, s7;
	s7 =	simm.s32 @!p0 $0x108  }
0x21: {  	s3 =	sadd.s32 s3, s9;
	s6 =	sadd.s32 @!p0 $0x88, s6;
	s7 =	simm.s32 @p2 $0x1082  }
0x22: {  	[simem:s7], [sflag:s8] =	dma.local @!p0 [hbm:s6], $0xF7A  }
0x23: {  	s9 =	sor.u32 $0xD0000000, s2;
	s6 =	simm.s32 $0x108;
	_ =	swait.ge @!p0 [sflag:s8], $0x0  }
0x24: {  	s3 =	sadd.s32 $0x88, s3;
	s6 =	simm.s32 @!p1 $0x1082;
	[sflag:s4] =	ssyncset.s32 $0xFFFFF086  }
0x25: {  	[simem:s6], [sflag:s4] =	dma.local [hbm:s3], $0xF7A  }
0x26: {  	[smem:$0x3FA0] =	sst s1;
	(tag) =	ssettag s2;
	_ =	strace s9  }
0x27: {  	s1 =	sld [smem:$0x3FB0]  }
0x28: {  	s2 =	sld [smem:$0x3FB1]  }
0x29: {  	s4 =	sld [smem:$0x3FB3]  }
0x2a: {  	p0 =	seq.s32 s5, $0x0;
	s5 =	sld [smem:$0x3FB4]  }
0x2b: {  	s6 =	sld [smem:$0x3FB5]  }
0x2c: {  	s7 =	sld [smem:$0x3FB6]  }
0x2d: {  	s3 =	simm.s32 $0x108;
	s8 =	sld [smem:$0x3FB7]  }
0x2e: {  	s3 =	simm.s32 @!p0 $0x1082;
	s9 =	sld [smem:$0x3FB8]  }
0x2f: {  	lr =	sadd.s32 s0, s3;
	s0 =	sld [smem:$0x3FAF]  }
0x30: {  	s3 =	sld [smem:$0x3FB2]  }
0x31: {  	[smem:$0x3FBB] =	sst s10  }
0x32: {  	s10 =	sld [smem:$0x3FB9];
	_ =	sdelay $0x3  }
0x33: {  	p0 =	seq.s32 s10, $0x1;
	s10 =	sld [smem:$0x3FBB];
	_ =	sdelay $0x3  }
0x34: {  	[smem:$0x3FBB] =	sst s10  }
0x35: {  	s10 =	sld [smem:$0x3FBA];
	_ =	sdelay $0x3  }
0x36: {  	p1 =	seq.s32 s10, $0x1;
	s10 =	sld [smem:$0x3FBB];
	_ =	sdelay $0x3  }
0x37: {  	[smem:$0x3FBB] =	sst s10  }
0x38: {  	s10 =	sld [smem:$0x3FBC]  }
0x39: {  	_ = 	snop;
	(pc) =	sbr.ind lr, $3  }
0x3a: {  	_ = 	snop  }
0x3b: {  	_ = 	snop  }
0x3c: {  	p2 =	seq.s32 s10, $0x1;
	s10 =	sld [smem:$0x3FBB]  }
0x3d: {  	_ =	shalt  }
0x3e: {  	_ =	shalt  }
0x3f: {  	_ =	shalt  }
0x40: {  	_ =	shalt  }
0x41: {  	_ =	shalt  }
0x42: {  	_ =	shalt  }
0x43: {  	_ =	shalt  }
0x44: {  	_ =	shalt  }
0x45: {  	_ =	shalt  }
0x46: {  	_ =	shalt  }
0x47: {  	_ =	shalt  }
0x48: {  	_ =	shalt  }
0x49: {  	_ =	shalt  }
0x4a: {  	_ =	shalt  }
0x4b: {  	_ =	shalt  }
0x4c: {  	_ =	shalt  }
0x4d: {  	_ =	shalt  }
0x4e: {  	_ =	shalt  }
0x4f: {  	_ =	shalt  }
0x50: {  	_ =	shalt  }
0x51: {  	_ =	shalt  }
0x52: {  	_ =	shalt  }
0x53: {  	_ =	shalt  }
0x54: {  	_ =	shalt  }
0x55: {  	_ =	shalt  }
0x56: {  	_ =	shalt  }
0x57: {  	_ =	shalt  }
0x58: {  	_ =	shalt  }
0x59: {  	_ =	shalt  }
0x5a: {  	_ =	shalt  }
0x5b: {  	_ =	shalt  }
0x5c: {  	_ =	shalt  }
0x5d: {  	_ =	shalt  }
0x5e: {  	_ =	shalt  }
0x5f: {  	_ =	shalt  }
0x60: {  	_ =	shalt  }
0x61: {  	_ =	shalt  }
0x62: {  	_ =	shalt  }
0x63: {  	_ =	shalt  }
0x64: {  	_ =	shalt  }
0x65: {  	_ =	shalt  }
0x66: {  	_ =	shalt  }
0x67: {  	_ =	shalt  }
0x68: {  	_ =	shalt  }
0x69: {  	_ =	shalt  }
0x6a: {  	_ =	shalt  }
0x6b: {  	_ =	shalt  }
0x6c: {  	_ =	shalt  }
0x6d: {  	_ =	shalt  }
0x6e: {  	_ =	shalt  }
0x6f: {  	_ =	shalt  }
0x70: {  	_ =	shalt  }
0x71: {  	_ =	shalt  }
0x72: {  	_ =	shalt  }
0x73: {  	_ =	shalt  }
0x74: {  	_ =	shalt  }
0x75: {  	_ =	shalt  }
0x76: {  	_ =	shalt  }
0x77: {  	_ =	shalt  }
0x78: {  	_ =	shalt  }
0x79: {  	_ =	shalt  }
0x7a: {  	_ =	shalt  }
0x7b: {  	_ =	shalt  }
0x7c: {  	_ =	shalt  }
0x7d: {  	_ =	shalt  }
0x7e: {  	_ =	shalt  }
0x7f: {  	_ =	shalt  }
0x80: {  	_ =	shalt  }
0x81: {  	_ =	shalt  }
0x82: {  	_ =	shalt  }
0x83: {  	_ =	shalt  }
0x84: {  	_ =	shalt  }
0x85: {  	_ =	shalt  }
0x86: {  	_ =	shalt  }
0x87: {  	_ =	shalt  }
.Lfunc_end0:
.L_simem_size_0:
called_computation_lowered:
.L_overlay_start_0:
0x88: {  	s0 =	sld [smem:$0x3FD9]  }
0x89: {  	s1 =	sld [smem:$0x3FFE];
	_ =	sdelay $0x3  }
0x8a: {  	s0 =	sadd.s32 s1, s0  }
0x8b: {  	[smem:$0x3FC7] =	sst s0  }
0x8c: {  	_ = 	snop  }
0x8d: {  	s0 =	sld [smem:$0x3FD0];
	_ =	sdelay $0x2  }
0x8e: {  	s2 =	simm.s32 $0xA;
	s3 =	simm.s32 $0x10;
	s14 =	sld [smem:$0x3FC9]  }
0x8f: {  	[smem:s3], [sflag:s2] =	dma.local [hbm:s0], $0x1  }
0x90: {  	_ =	swait.eq [sflag:s2], $0x1  }
0x91: {  	[sflag:s2] =	ssyncset.done $0x0  }
0x92: {  	s15 =	sld [smem:$0x10];
	[sflag:s2] =	ssyncadd.s32 $0xFFFFFFFF  }
0x93: {  	s16 =	sld [smem:$0x11];
	(tm) =	ssettm $0x1  }
0x94: {  	s17 =	sld [smem:$0x3FFB];
	_ =	sdelay $0x3  }
0x95: {  	_ =	strace s17  }
0x96: {  	s3 =	sld [smem:$0x3FFC];
	_ =	sdelay $0x3  }
0x97: {  	_ =	strace s3  }
0x98: {  	s3 =	sld [smem:$0x3FFD];
	_ =	sdelay $0x3  }
0x99: {  	_ =	strace s3  }
0x9a: {  	_ =	strace $0x8FFFFFFF  }
0x9b: {  	s18 =	sld [smem:$0x3FDB];
	_ =	sdelay $0x1  }
0x9c: {  	s4 =	simm.s32 $_scs_section_size  }
0x9d: {  	s5 =	simm.s32 $_size__tile_overlayer_lowered;
	s6 =	simm.s32 $_tile_overlayer_lowered  }
0x9e: {  	s21 =	simm.s32 $0x1BFF;
	s20 =	sshll.u32 s6, $0x1;
	s3 =	sadd.s32 s4, s18  }
0x9f: {  	s7 =	simm.s32 $0x0;
	s19 =	sshll.u32 s5, $0x1;
	s5 =	sadd.s32 s20, s3  }
0xa0: {  	[timem:s7], [sflag:s21] =	dma.local [hbm:s5], s19  }
0xa1: {  	_ =	swait.ge [sflag:s21], s19  }
0xa2: {  	s4 =	ssub.s32 $0x0, s19;
	[sflag:s21] =	ssyncset.done $0x0  }
0xa3: {  	[sflag:s21] =	ssyncadd.s32 s4;
	_ =	sdelay $0x1  }
0xa4: {  	s22 =	simm.s32 $0x1B8B  }
0xa5: {  	_ =	swait.ge [sflag:s22], $0x1  }
0xa6: {  	[sflag:s22] =	ssyncset.done $0x0  }
0xa7: {  	s23 =	simm.s32 $0x1B8E;
	[sflag:s22] =	ssyncadd.s32 $0xFFFFFFFF  }
0xa8: {  	s24 =	simm.s32 $execute0_lowered;
	[smem:$0x3FD2] =	sst s23  }
0xa9: {  	s4 =	sshll.u32 s24, $0x1;
	_ =	strace $0x80000046;
	[dreg:$0x1] =	wrdreg $0xFFFFFFFF  }
0xaa: {  	s25 =	simm.s32 $_size_execute0_lowered;
	s3 =	sadd.s32 s3, s4;
	[dreg:$0x0] =	wrdreg $0x0  }
0xab: {  	s4 =	sshll.u32 s25, $0x1;
	[dreg:$0x2] =	wrdreg s3  }
0xac: {  	[dreg:$0x3] =	wrdreg s4  }
0xad: {  	[dreg:$0x4] =	wrdreg $0xC0  }
0xae: {  	_ =	task [dreg:s7], $0x5FFFF  }
0xaf: {  	[dreg:$0x1] =	wrdreg $0xFFFFFFFF  }
0xb0: {  	[dreg:$0x0] =	wrdreg $0x60  }
0xb1: {  	[dreg:$0x2] =	wrdreg s14  }
0xb2: {  	[dreg:$0x3] =	wrdreg s15  }
0xb3: {  	[dreg:$0x4] =	wrdreg s16  }
0xb4: {  	[dreg:$0x5] =	wrdreg $0x9  }
0xb5: {  	_ =	task.clear_ibuf [dreg:s7], $0x6FFFF;
	_ =	strace $0x90000046  }
0xb6: {  	s26 =	simm.s32 $0x9;
	_ =	strace $0x80000048  }
0xb7: {  	_ =	swait.ge [sflag:s26], $0x1  }
0xb8: {  	[sflag:s26] =	ssyncadd.s32 $0xFFFFFFFF  }
0xb9: {  	_ =	strace $0x90000048  }
0xba: {  	_ =	sfence  }
0xbb: {  	s28 =	sld [smem:$0x0];
	_ =	sdelay $0x1  }
0xbc: {  	s29 =	srdreg.scid  }
0xbd: {  	s30 =	sshll.u32 s29, $0xD;
	s31 =	sshrl.u32 s29, $0x2  }
0xbe: {  	s1 =	sand.u32 $0x1, s29;
	s2 =	sand.u32 $0x4000, s30;
	s0 =	sadd.s32 s31, s28  }
0xbf: {  	s1 =	sor.u32 s2, s1;
	s0 =	sshll.u32 s0, $0x11  }
0xc0: {  	s0 =	sor.u32 s0, s1  }
0xc1: {  	s0 =	sadd.s32 $0x8F2B, s0  }
0xc2: {  	[sflag:s0] =	ssyncadd.remote.s32 $0x1  }
0xc3: {  	_ =	sfence.sel $0xFFFF  }
0xc4: {  	[dreg:$0x0] =	wrdreg $0xFFFFFFFF;
	(pc) =	sbr.abs _section_cstart, $3  }
0xc5: {  	[dreg:$0x1] =	wrdreg $0xFFFFFFFF  }
0xc6: {  	_ =	task.clear_ibuf [dreg:s7], $0x2FFFF;
	_ =	strace $0x9FFFFFFF  }
0xc7: {  	(tm) =	ssettm $0x7FFFFFFF  }
tec
execute0_lowered:
.L_overlay_start_1:
0x0: {  	(tag) =	ssettag $0x1  }
0x1: {  	s5 =	rddreg [dreg:$0x0]  }
0x2: {  	s3 =	rddreg [dreg:$0x1];
	s1 =	stileid.u32  }
0x3: {  	s2 =	rddreg [dreg:$0x2];
	s4 =	sshll.u32 s1, $0x9;
	s7 =	sshll.u32 s1, $0x4  }
0x4: {  	s0 =	rddreg [dreg:$0x3];
	s6 =	simm.s32 $0x0;
	s4 =	sor.u32 s7, s4  }
0x5: {  	s31 =	simm.s32 $0x80;
	[smem:$0x7FF] =	sst s6;
	s4 =	sand.u32 $0x1070, s4  }
0x6: {  	s8 =	simm.s32 $0x400;
	_ =	strace $0x80000047;
	s5 =	sadd.s32 s5, s4  }
0x7: {  	[tilespmem:s6], [sflag:$0x1] =	stream.strided.gather [hbm4b:s5+s31], $0x1000, s8, s31, $0x38;
	[tilespmem:$0x3000] =	vst v63  }
0x8: {  	v0 =	vimm.s32 $0xFFFFFFFF;
	s5 =	simm.s32 $0x0;
	s6 =	simm.s32 $0x200  }
.LBB2_1:
0x9: {  	p0 =	sne.s32 s6, $0x3E00;
	[tilespmem:s5+$0x2070] =	vst v0  }
0xa: {  	[tilespmem:s5+$0x1000] =	vst v0  }
0xb: {  	[tilespmem:s5+$0x2000] =	vst v0  }
0xc: {  	[tilespmem:s5+$0x1010] =	vst v0  }
0xd: {  	[tilespmem:s5+$0x2010] =	vst v0  }
0xe: {  	[tilespmem:s5+$0x1020] =	vst v0  }
0xf: {  	[tilespmem:s5+$0x2020] =	vst v0  }
0x10: {  	[tilespmem:s5+$0x1030] =	vst v0  }
0x11: {  	[tilespmem:s5+$0x2030] =	vst v0  }
0x12: {  	[tilespmem:s5+$0x1040] =	vst v0  }
0x13: {  	[tilespmem:s5+$0x2040] =	vst v0  }
.Ltmp0:
0x14: {  	[tilespmem:s5+$0x1050] =	vst v0;
	(pc) =	sbr.rel @p0 .LBB2_1-.Ltmp0, $4  }
0x15: {  	[tilespmem:s5+$0x2050] =	vst v0  }
0x16: {  	[tilespmem:s5+$0x1060] =	vst v0  }
0x17: {  	[tilespmem:s5+$0x2060] =	vst v0  }
0x18: {  	[tilespmem:s5+$0x1070] =	vst v0;
	s5 =	sshra.s32 s6, $0x2;
	s6 =	sadd.s32 $0x200, s6  }
0x19: {  	[tilespmem:s5+$0x2070] =	vst v0  }
0x1a: {  	[tilespmem:s5+$0x1000] =	vst v0  }
0x1b: {  	[tilespmem:s5+$0x2000] =	vst v0  }
0x1c: {  	[tilespmem:s5+$0x1010] =	vst v0  }
0x1d: {  	[tilespmem:s5+$0x2010] =	vst v0  }
0x1e: {  	[tilespmem:s5+$0x1020] =	vst v0  }
0x1f: {  	[tilespmem:s5+$0x2020] =	vst v0  }
0x20: {  	[tilespmem:s5+$0x1030] =	vst v0  }
0x21: {  	[tilespmem:s5+$0x2030] =	vst v0  }
0x22: {  	[tilespmem:s5+$0x1040] =	vst v0  }
0x23: {  	[tilespmem:s5+$0x2040] =	vst v0  }
0x24: {  	[tilespmem:s5+$0x1050] =	vst v0  }
0x25: {  	[tilespmem:s5+$0x2050] =	vst v0  }
0x26: {  	[tilespmem:s5+$0x1060] =	vst v0  }
.Ltmp1:
0x27: {  	[tilespmem:s5+$0x2060] =	vst v0;
	(pc) =	sbr.rel .LBB2_3-.Ltmp1, $4  }
0x28: {  	[tilespmem:s5+$0x1070] =	vst v0;
	s31 =	simm.s32 $0x1  }
0x29: {  	s9 =	simm.s32 $0x0;
	s5 =	simm.s32 $0xF0;
	_ =	swait.ge [sflag:s31], $0x1000  }
0x2a: {  	s6 =	simm.s32 $0x80;
	s7 =	simm.s32 $0x1000;
	[sflag:s31] =	ssyncset.done $0x0  }
0x2b: {  	v0 =	vimm.f32 $0.0e+00;
	v1 =	vlaneseq.u32;
	v2 =	vimm.s32 $0x0;
	s8 =	simm.s32 $0x2000;
	s10 =	simm.s32 $0x0;
	[sflag:s31] =	ssyncadd.s32 $0xFFFFF000  }
.LBB2_5:
0x2c: {  	s5 =	sadd.s32 $0x100, s5  }
0x2d: {  	p0 =	sne.s32 s5, $0x10F0  }
.Ltmp2:
0x2e: {  	_ = 	snop;
	(pc) =	sbr.rel @!p0 .LBB2_6-.Ltmp2, $2  }
0x2f: {  	_ =	sdelay $0x2  }
0x30: {  	s6 =	sadd.s32 $0x100, s6  }
.LBB2_3:
0x31: {  	v3 =	vld [tilespmem:s6+$0x70];
	_ =	sdelay $0x2  }
0x32: {  	v4 =	vld [tilespmem:s6+$0x60]  }
0x33: {  	v43 =	vimm.s32 $0x0;
	v44 =	vimm.s32 $0x0;
	v46 =	vimm.s32 $0x0  }
0x34: {  	v5 =	vld [tilespmem:s6+$0x50];
	vm1 =	veq.s32 v3, $0x7144;
	vm0 =	veq.s32 v3, $0x7146;
	v3 =	vimm.s32 $0x0  }
0x35: {  	v47 =	vimm.s32 $0x0;
	v49 =	vimm.s32 $0x0;
	v3 =	vsel vm0, $0xFFFFFFFF, v3  }
0x36: {  	v6 =	vld [tilespmem:s6+$0x40];
	v50 =	vimm.s32 $0x0;
	v52 =	vimm.s32 $0x0;
	[tilespmem:$0x1FEF0] =	vst v3;
	v3 =	vimm.s32 $0x0  }
0x37: {  	vm2 =	veq.s32 v4, $0x7146;
	vm0 =	vmor vm1, vm0;
	v3 =	vsel vm1, $0xFFFFFFFF, v3  }
0x38: {  	vm0 =	vmor vm2, vm0;
	vm1 =	veq.s32 v4, $0x7144;
	v4 =	vsel vm2, $0xFFFFFFFF, v43;
	[tilespmem:$0x1FF00] =	vst v3  }
0x39: {  	vm2 =	veq.s32 v5, $0x7146;
	v3 =	vld [tilespmem:s6+$0x30];
	[tilespmem:$0x1FF10] =	vst v4;
	v4 =	vsel vm1, $0xFFFFFFFF, v44;
	vm0 =	vmor vm1, vm0  }
0x3a: {  	vm1 =	veq.s32 v5, $0x7144;
	v5 =	vsel vm2, $0xFFFFFFFF, v46;
	vm0 =	vmor vm2, vm0  }
0x3b: {  	[tilespmem:$0x1FF30] =	vst v5;
	vm2 =	veq.s32 v6, $0x7146;
	v5 =	vsel vm1, $0xFFFFFFFF, v47;
	vm0 =	vmor vm1, vm0  }
0x3c: {  	v45 =	vld [tilespmem:s6+$0x20];
	vm1 =	veq.s32 v6, $0x7144;
	v6 =	vsel vm2, $0xFFFFFFFF, v49;
	vm0 =	vmor vm2, vm0  }
0x3d: {  	v53 =	vimm.s32 $0x0;
	[tilespmem:$0x1FF50] =	vst v6;
	v6 =	vsel vm1, $0xFFFFFFFF, v50;
	vm0 =	vmor vm1, vm0  }
0x3e: {  	v48 =	vld [tilespmem:s6+$0x10];
	vm2 =	veq.s32 v3, $0x7146;
	vm1 =	veq.s32 v3, $0x7144;
	v3 =	vimm.s32 $0x0  }
0x3f: {  	v55 =	vimm.s32 $0x0;
	v56 =	vimm.s32 $0x0;
	v3 =	vsel vm2, $0xFFFFFFFF, v3  }
0x40: {  	v51 =	vld [tilespmem:s6+$0x0];
	v7 =	vimm.s32 $0x0;
	vm0 =	vmor vm2, vm0;
	[tilespmem:$0x1FF70] =	vst v3;
	v3 =	vimm.s32 $0x0  }
0x41: {  	vm2 =	veq.s32 v45, $0x7146;
	vm0 =	vmor vm1, vm0;
	v3 =	vsel vm1, $0xFFFFFFFF, v3  }
0x42: {  	v58 =	vimm.s32 $0x0;
	vm1 =	veq.s32 v45, $0x7144;
	vm0 =	vmor vm2, vm0;
	[tilespmem:$0x1FF80] =	vst v3;
	v3 =	vld [tilespmem:s6+$0xFFFFFFF0]  }
0x43: {  	[tilespmem:$0x1FF20] =	vst v4;
	v4 =	vsel vm2, $0xFFFFFFFF, v52;
	vm2 =	veq.s32 v48, $0x7146;
	vm0 =	vmor vm1, vm0  }
0x44: {  	v54 =	vld [tilespmem:s6+$0xFFFFFFE0];
	[tilespmem:$0x1FF90] =	vst v4;
	v4 =	vsel vm1, $0xFFFFFFFF, v53;
	vm1 =	veq.s32 v48, $0x7144;
	vm0 =	vmor vm2, vm0  }
0x45: {  	[tilespmem:$0x1FF40] =	vst v5;
	v5 =	vsel vm2, $0xFFFFFFFF, v55;
	vm2 =	veq.s32 v51, $0x7146;
	vm0 =	vmor vm1, vm0  }
0x46: {  	v57 =	vld [tilespmem:s6+$0xFFFFFFD0];
	[tilespmem:$0x1FFB0] =	vst v5;
	v5 =	vsel vm1, $0xFFFFFFFF, v56;
	vm1 =	veq.s32 v51, $0x7144;
	vm0 =	vmor vm2, vm0  }
0x47: {  	[tilespmem:$0x1FF60] =	vst v6;
	v6 =	vsel vm1, $0xFFFFFFFF, v58;
	vm1 =	vmor vm1, vm0;
	vm0 =	veq.s32 v3, $0x7146  }
0x48: {  	v59 =	vld [tilespmem:s6+$0xFFFFFFC0];
	v7 =	vsel vm2, $0xFFFFFFFF, v7;
	vm2 =	vmor vm0, vm1;
	vm1 =	veq.s32 v3, $0x7144  }
0x49: {  	vm3 =	vmor vm1, vm2;
	vm2 =	veq.s32 v54, $0x7146  }
0x4a: {  	v3 =	vld [tilespmem:s6+$0xFFFFFFB0];
	vm4 =	vmor vm2, vm3;
	vm3 =	veq.s32 v54, $0x7144  }
0x4b: {  	vm5 =	vmor vm3, vm4;
	vm4 =	veq.s32 v57, $0x7146  }
0x4c: {  	v61 =	vld [tilespmem:s6+$0xFFFFFFA0];
	vm6 =	vmor vm4, vm5;
	vm5 =	veq.s32 v57, $0x7144  }
0x4d: {  	vm7 =	vmor vm5, vm6;
	vm6 =	veq.s32 v59, $0x7146  }
0x4e: {  	v62 =	vld [tilespmem:s6+$0xFFFFFF90];
	vm8 =	vmor vm6, vm7;
	vm7 =	veq.s32 v59, $0x7144  }
0x4f: {  	vm9 =	vmor vm7, vm8;
	vm8 =	veq.s32 v3, $0x7146  }
0x50: {  	v63 =	vld [tilespmem:s6+$0xFFFFFF80];
	vm10 =	vmor vm8, vm9;
	vm9 =	veq.s32 v3, $0x7144  }
0x51: {  	vm11 =	vmor vm9, vm10;
	vm10 =	veq.s32 v61, $0x7146  }
0x52: {  	vm12 =	vmor vm10, vm11;
	vm11 =	veq.s32 v61, $0x7144  }
0x53: {  	vm13 =	vmor vm11, vm12;
	vm12 =	veq.s32 v62, $0x7146  }
0x54: {  	vm14 =	vmor vm12, vm13;
	vm13 =	veq.s32 v62, $0x7144  }
0x55: {  	v60 =	vimm.s32 $0x0;
	vm15 =	vmor vm13, vm14;
	vm14 =	veq.s32 v63, $0x7146  }
0x56: {  	[tilespmem:$0x1FFD0] =	vst v7;
	v7 =	vsel vm0, $0xFFFFFFFF, v60;
	vm0 =	vmor vm14, vm15;
	vm15 =	veq.s32 v63, $0x7144  }
0x57: {  	vm0 =	vmor vm15, vm0  }
0x58: {  	v3 =	vsel vm0, $0x3F800000, v0  }
0x59: {  	(xrf0) =	vmax.scan.msk.f32 $0xffff, v3;
	_ =	sdelay $0x5  }
0x5a: {  	v3, _, _ =	vpop (xrf0)  }
0x5b: {  	(v2sf) =	vpush v3, $0xF;
	_ =	sdelay $0xe  }
0x5c: {  	s11 =	spop (v2sf)  }
0x5d: {  	p0 =	sgt.f32 s11, $0.0e+00  }
.Ltmp3:
0x5e: {  	_ = 	snop;
	(pc) =	sbr.rel @!p0 .LBB2_5-.Ltmp3, $4  }
0x5f: {  	[tilespmem:$0x1FFA0] =	vst v4  }
0x60: {  	[tilespmem:$0x1FFC0] =	vst v5  }
0x61: {  	[tilespmem:$0x1FFE0] =	vst v6  }
0x62: {  	[tilespmem:$0x1FFF0] =	vst v7  }
0x63: {  	v3 =	vsel vm15, $0x1, v2  }
0x64: {  	(xrf0) =	vadd.scan.msk.s32 $0xffff, v3;
	v3 =	vsel vm14, $0x1, v2  }
0x65: {  	(xrf0) =	vadd.scan.msk.s32 $0xffff, v3;
	v3 =	vsel vm13, $0x1, v2  }
0x66: {  	(xrf0) =	vadd.scan.msk.s32 $0xffff, v3  }
0x67: {  	v3 =	vsel vm12, $0x1, v2  }
0x68: {  	(xrf0) =	vadd.scan.msk.s32 $0xffff, v3;
	v3 =	vsel vm11, $0x1, v2  }
0x69: {  	(xrf0) =	vadd.scan.msk.s32 $0xffff, v3  }
0x6a: {  	v3 =	vsel vm10, $0x1, v2;
	v4, _, _ =	vpop (xrf0)  }
0x6b: {  	(xrf0) =	vadd.scan.msk.s32 $0xffff, v3;
	(v2sf) =	vpush v4, $0xF;
	v5, _, _ =	vpop (xrf0)  }
0x6c: {  	v3 =	vsel vm9, $0x1, v2;
	(v2sf) =	vpush v5, $0xF;
	v6, _, _ =	vpop (xrf0)  }
0x6d: {  	(xrf0) =	vadd.scan.msk.s32 $0xffff, v3;
	v3 =	vsel vm8, $0x1, v2;
	(v2sf) =	vpush v6, $0xF  }
0x6e: {  	v7, _, _ =	vpop (xrf0);
	(xrf0) =	vadd.scan.msk.s32 $0xffff, v3;
	v3 =	vsel vm7, $0x1, v2  }
0x6f: {  	(v2sf) =	vpush v7, $0xF;
	v9, _, _ =	vpop (xrf0);
	(xrf0) =	vadd.scan.msk.s32 $0xffff, v3  }
0x70: {  	v3 =	vsel vm6, $0x1, v2;
	(v2sf) =	vpush v9, $0xF  }
0x71: {  	v8 =	vsel vm5, $0x1, v2;
	v11, _, _ =	vpop (xrf0);
	(xrf0) =	vadd.scan.msk.s32 $0xffff, v3;
	v3 =	vmov s10  }
0x72: {  	v61 =	vsel vm4, $0x1, v2;
	(v2sf) =	vpush v11, $0xF;
	v3 =	vadd.s32 $0xFFFFFFFF, v3;
	(xrf0) =	vadd.scan.msk.s32 $0xffff, v8  }
0x73: {  	v32 =	vld [tilespmem:$0x1FFF0];
	v10 =	vbroadcast v3, $0x0;
	v12, _, _ =	vpop (xrf0);
	(xrf0) =	vadd.scan.msk.s32 $0xffff, v61  }
0x74: {  	v16 =	vsel vm3, $0x1, v2;
	v33 =	vld [tilespmem:$0x1FFE0];
	v13, _, _ =	vpop (xrf0)  }
0x75: {  	v3 =	vmov s9;
	v61 =	vld [tilespmem:$0x1FF30];
	(v2sf) =	vpush v12, $0xF;
	v63 =	vadd.s32 v4, v10;
	v14, _, _ =	vpop (xrf0);
	(xrf0) =	vadd.scan.msk.s32 $0xffff, v16  }
0x76: {  	v36 =	vld [tilespmem:$0x1FFD0];
	v62 =	vadd.s32 $0xFFFFFFFF, v3  }
0x77: {  	v29 =	vsel vm2, $0x1, v2;
	s18 =	sadd.s32 $0xFFFFFF30, s5;
	v17 =	vbroadcast v62, $0x0;
	(v2sf) =	vpush v13, $0xF;
	v15, _, _ =	vpop (xrf0)  }
0x78: {  	s11 =	sadd.s32 $0xFFFFFF10, s5;
	s24 =	sadd.s32 $0xFFFFFF20, s5;
	v21 =	vsel vm1, $0x1, v2;
	v40 =	vld [tilespmem:$0x1FFC0];
	v60 =	vor.u32 s18, v1;
	vm0 =	vnez.u8 v32;
	(xrf0) =	vadd.scan.msk.s32 $0xffff, v29;
	v18, _, _ =	vpop (xrf0)  }
0x79: {  	v3 =	vor.u32 s11, v1;
	v4 =	vor.u32 s24, v1;
	v5 =	vadd.s32 v5, v17;
	v19, _, _ =	vpop (xrf0);
	(xrf0) =	vadd.scan.msk.s32 $0xffff, v21  }
0x7a: {  	v21 =	vsel vm0, $0x1, v2;
	vm0 =	vnez.u8 v33;
	[tilespmem:v63+s7+$0x0] =	vst.idx.msk vm15, v3;
	vm15 =	vnez.u8 v61;
	s12 =	spop (v2sf)  }
0x7b: {  	(v2sf) =	vpush v14, $0xF;
	v22, _, _ =	vpop (xrf0);
	(xrf0) =	vadd.scan.msk.s32 $0xffff, v21;
	v21 =	vsel vm0, $0x1, v2;
	vm0 =	vnez.u8 v36;
	s22 =	sadd.s32 s10, s12;
	s23 =	spop (v2sf)  }
0x7c: {  	(v2sf) =	vpush v15, $0xF;
	v37 =	vsel vm0, $0x1, v2;
	v28 =	vmov s22;
	s13 =	spop (v2sf);
	s25 =	sadd.s32 s9, s23  }
0x7d: {  	vm0 =	vnez.u8 v40;
	v10 =	vadd.s32 $0xFFFFFFFF, v28;
	s10 =	sadd.s32 s13, s22;
	v30 =	vmov s25  }
0x7e: {  	s26 =	spop (v2sf);
	(v2sf) =	vpush v18, $0xF;
	s22 =	sadd.s32 $0xFFFFFF40, s5;
	v10 =	vbroadcast v10, $0x0;
	v31 =	vmov s10  }
0x7f: {  	v16 =	vadd.s32 $0xFFFFFFFF, v30;
	s9 =	sadd.s32 s26, s25;
	s28 =	spop (v2sf);
	(v2sf) =	vpush v19, $0xF;
	v40 =	vor.u32 s22, v1  }
0x80: {  	v17 =	vadd.s32 $0xFFFFFFFF, v31;
	v20 =	vmov s9;
	v16 =	vbroadcast v16, $0x0  }
0x81: {  	v25, _, _ =	vpop (xrf0);
	s29 =	spop (v2sf);
	s10 =	sadd.s32 s28, s10;
	(v2sf) =	vpush v22, $0xF;
	v17 =	vbroadcast v17, $0x0;
	v20 =	vadd.s32 $0xFFFFFFFF, v20  }
0x82: {  	v43 =	vld [tilespmem:$0x1FFB0];
	(xrf0) =	vadd.scan.msk.s32 $0xffff, v21;
	s9 =	sadd.s32 s29, s9;
	v23 =	vmov s10;
	(v2sf) =	vpush v25, $0xF;
	v21 =	vadd.s32 v6, v10  }
0x83: {  	v20 =	vbroadcast v20, $0x0;
	v24 =	vmov s9;
	v23 =	vadd.s32 $0xFFFFFFFF, v23  }
0x84: {  	v26 =	vld [tilespmem:$0x1FFA0];
	v38, _, _ =	vpop (xrf0);
	v16 =	vadd.s32 v7, v16;
	v24 =	vadd.s32 $0xFFFFFFFF, v24;
	v34 =	vbroadcast v23, $0x0;
	s30 =	spop (v2sf)  }
0x85: {  	v48 =	vld [tilespmem:$0x1FF90];
	v10 =	vadd.s32 v9, v17;
	(v2sf) =	vpush v38, $0xF;
	v35 =	vbroadcast v24, $0x0;
	s10 =	sadd.s32 s30, s10  }
0x86: {  	v49 =	vld [tilespmem:$0x1FF80];
	(xrf0) =	vadd.scan.msk.s32 $0xffff, v37;
	v9 =	vadd.s32 v11, v20;
	s31 =	spop (v2sf);
	v7 =	vadd.s32 v12, v34;
	v39 =	vmov s10  }
0x87: {  	s9 =	sadd.s32 s31, s9;
	v12 =	vsel vm0, $0x1, v2;
	vm0 =	vnez.u8 v43;
	v6 =	vadd.s32 v13, v35  }
0x88: {  	v54 =	vld [tilespmem:$0x1FF70];
	v42, _, _ =	vpop (xrf0);
	v11 =	vadd.s32 $0xFFFFFFFF, v39;
	v41 =	vmov s9;
	(xrf0) =	vadd.scan.msk.s32 $0xffff, v12;
	v12 =	vsel vm0, $0x1, v2  }
0x89: {  	s24 =	sadd.s32 $0xFFFFFF50, s5;
	vm0 =	vnez.u8 v26;
	v11 =	vbroadcast v11, $0x0;
	v17 =	vadd.s32 $0xFFFFFFFF, v41  }
0x8a: {  	v55 =	vld [tilespmem:$0x1FF60];
	(xrf0) =	vadd.scan.msk.s32 $0xffff, v12;
	v26 =	vsel vm0, $0x1, v2;
	vm0 =	vnez.u8 v48;
	v41 =	vor.u32 s24, v1  }
0x8b: {  	v44, _, _ =	vpop (xrf0);
	v45 =	vbroadcast v17, $0x0;
	(xrf0) =	vadd.scan.msk.s32 $0xffff, v26;
	v26 =	vsel vm0, $0x1, v2;
	vm0 =	vnez.u8 v49  }
0x8c: {  	v56 =	vld [tilespmem:$0x1FF50];
	v27, _, _ =	vpop (xrf0);
	(xrf0) =	vadd.scan.msk.s32 $0xffff, v26;
	v26 =	vsel vm0, $0x1, v2;
	v14 =	vadd.s32 v14, v11;
	s12 =	spop (v2sf);
	(v2sf) =	vpush v42, $0xF  }
0x8d: {  	[tilespmem:v5+s8+$0x0] =	vst.idx.msk vm14, v3;
	vm0 =	vnez.u8 v54;
	v15 =	vadd.s32 v15, v45;
	s10 =	sadd.s32 s12, s10;
	s13 =	spop (v2sf);
	(v2sf) =	vpush v44, $0xF  }
0x8e: {  	v57 =	vld [tilespmem:$0x1FF40];
	s9 =	sadd.s32 s13, s9;
	v46 =	vmov s10;
	(v2sf) =	vpush v27, $0xF;
	v50, _, _ =	vpop (xrf0);
	(xrf0) =	vadd.scan.msk.s32 $0xffff, v26;
	v26 =	vsel vm0, $0x1, v2  }
0x8f: {  	[tilespmem:v21+s7+$0x0] =	vst.idx.msk vm13, v4;
	vm0 =	vnez.u8 v55;
	v17 =	vadd.s32 $0xFFFFFFFF, v46;
	v47 =	vmov s9  }
0x90: {  	[tilespmem:v16+s8+$0x0] =	vst.idx.msk vm12, v4;
	s14 =	spop (v2sf);
	(v2sf) =	vpush v50, $0xF;
	v52, _, _ =	vpop (xrf0);
	v17 =	vbroadcast v17, $0x0;
	v24 =	vadd.s32 $0xFFFFFFFF, v47  }
0x91: {  	s10 =	sadd.s32 s14, s10;
	s15 =	spop (v2sf);
	v29, _, _ =	vpop (xrf0);
	(xrf0) =	vadd.scan.msk.s32 $0xffff, v26;
	v26 =	vsel vm0, $0x1, v2;
	vm0 =	vnez.u8 v56;
	v24 =	vbroadcast v24, $0x0  }
0x92: {  	v51 =	vmov s10;
	s16 =	spop (v2sf);
	(v2sf) =	vpush v52, $0xF;
	(xrf0) =	vadd.scan.msk.s32 $0xffff, v26;
	v26 =	vsel vm0, $0x1, v2  }
0x93: {  	[tilespmem:v10+s7+$0x0] =	vst.idx.msk vm11, v60;
	s9 =	sadd.s32 s15, s9;
	vm0 =	vnez.u8 v57;
	v11 =	vadd.s32 v18, v17;
	v18 =	vadd.s32 $0xFFFFFFFF, v51  }
0x94: {  	v30, _, _ =	vpop (xrf0);
	s15 =	sadd.s32 $0xFFFFFF80, s5;
	v53 =	vmov s9;
	(v2sf) =	vpush v29, $0xF;
	(xrf0) =	vadd.scan.msk.s32 $0xffff, v26;
	v26 =	vsel vm0, $0x1, v2  }
0x95: {  	[tilespmem:v9+s8+$0x0] =	vst.idx.msk vm10, v60;
	s10 =	sadd.s32 s16, s10;
	s17 =	spop (v2sf);
	v51 =	vld [tilespmem:$0x1FEF0];
	v60 =	vor.u32 s15, v1;
	v12 =	vadd.s32 v19, v24;
	v18 =	vbroadcast v18, $0x0  }
0x96: {  	v24 =	vadd.s32 $0xFFFFFFFF, v53;
	v28 =	vmov s10;
	s9 =	sadd.s32 s17, s9;
	(v2sf) =	vpush v30, $0xF  }
0x97: {  	v24 =	vbroadcast v24, $0x0;
	v28 =	vadd.s32 $0xFFFFFFFF, v28;
	v31 =	vmov s9;
	v32, _, _ =	vpop (xrf0)  }
0x98: {  	s19 =	spop (v2sf);
	v58 =	vbroadcast v28, $0x0;
	v59 =	vadd.s32 $0xFFFFFFFF, v31;
	(v2sf) =	vpush v32, $0xF;
	v31 =	vld [tilespmem:$0x1FF20]  }
0x99: {  	v34 =	vld [tilespmem:$0x1FF10];
	(xrf0) =	vadd.scan.msk.s32 $0xffff, v26;
	v18 =	vadd.s32 v22, v18;
	s10 =	sadd.s32 s19, s10;
	v8 =	vadd.s32 v25, v24;
	v24 =	vsel vm15, $0x1, v2  }
0x9a: {  	s14 =	sadd.s32 $0xFFFFFF70, s5;
	v28 =	vbroadcast v59, $0x0;
	v62 =	vmov s10;
	v63, _, _ =	vpop (xrf0);
	(xrf0) =	vadd.scan.msk.s32 $0xffff, v24;
	vm0 =	vnez.u8 v51;
	v51 =	vld [tilespmem:$0x1FF80]  }
0x9b: {  	s17 =	sadd.s32 $0xFFFFFF90, s5;
	v59 =	vor.u32 s14, v1;
	v13 =	vadd.s32 v38, v58;
	v25 =	vadd.s32 $0xFFFFFFFF, v62  }
0x9c: {  	(v2sf) =	vpush v63, $0xF;
	v33, _, _ =	vpop (xrf0);
	v62 =	vor.u32 s17, v1;
	v25 =	vbroadcast v25, $0x0  }
0x9d: {  	[tilespmem:v7+s7+$0x0] =	vst.idx.msk vm9, v40;
	v20 =	vadd.s32 v42, v28;
	(v2sf) =	vpush v33, $0xF;
	vm15 =	vnez.u8 v31;
	s20 =	spop (v2sf)  }
0x9e: {  	[tilespmem:v6+s8+$0x0] =	vst.idx.msk vm8, v40;
	v31, _, _ =	vpop (xrf0);
	v39 =	vadd.s32 v44, v25;
	v24 =	vsel vm15, $0x1, v2;
	vm15 =	vnez.u8 v34;
	v34 =	vld [tilespmem:$0x1FFD0];
	s21 =	spop (v2sf)  }
0x9f: {  	v3, _, _ =	vpop (xrf0);
	s9 =	sadd.s32 s20, s9;
	(xrf0) =	vadd.scan.msk.s32 $0xffff, v24;
	v24 =	vsel vm15, $0x1, v2;
	(v2sf) =	vpush v31, $0xF;
	vm8 =	vnez.u8 v51;
	s10 =	sadd.s32 s21, s10  }
0xa0: {  	v35 =	vmov s9;
	s23 =	spop (v2sf);
	(v2sf) =	vpush v3, $0xF;
	v10, _, _ =	vpop (xrf0);
	v37 =	vmov s10  }
0xa1: {  	v36 =	vadd.s32 $0xFFFFFFFF, v35;
	s9 =	sadd.s32 s23, s9;
	s25 =	spop (v2sf);
	(v2sf) =	vpush v10, $0xF;
	v38 =	vadd.s32 $0xFFFFFFFF, v37  }
0xa2: {  	(xrf0) =	vadd.scan.msk.s32 $0xffff, v24;
	v5 =	vbroadcast v36, $0x0;
	v42 =	vmov s9;
	s10 =	sadd.s32 s25, s10;
	v21 =	vbroadcast v38, $0x0  }
0xa3: {  	s22 =	sadd.s32 $0xFFFFFFB0, s5;
	v44 =	vadd.s32 $0xFFFFFFFF, v42;
	s26 =	spop (v2sf);
	v46 =	vmov s10;
	vm13 =	vnez.u8 v34  }
0xa4: {  	[tilespmem:v14+s7+$0x0] =	vst.idx.msk vm7, v41;
	v42 =	vor.u32 s22, v1;
	v45 =	vbroadcast v44, $0x0;
	s9 =	sadd.s32 s26, s9;
	v43 =	vadd.s32 v50, v21;
	v50 =	vld [tilespmem:$0x1FF00]  }
0xa5: {  	[tilespmem:v15+s8+$0x0] =	vst.idx.msk vm6, v41;
	v41 =	vld [tilespmem:$0x1FFB0];
	v5 =	vadd.s32 v27, v5;
	v47 =	vadd.s32 $0xFFFFFFFF, v46;
	s28 =	spop (v2sf);
	v48 =	vmov s9  }
0xa6: {  	s30 =	sadd.s32 $0xFFFFFF60, s5;
	s24 =	sadd.s32 $0xFFFFFFC0, s5;
	v38 =	vld [tilespmem:$0x1FFC0];
	v6 =	vbroadcast v47, $0x0;
	s10 =	sadd.s32 s28, s10;
	v49 =	vadd.s32 $0xFFFFFFFF, v48;
	v7 =	vadd.s32 v52, v45  }
0xa7: {  	v27 =	vld [tilespmem:$0x1FFF0];
	v52 =	vor.u32 s30, v1;
	v53 =	vmov s10;
	v45 =	vor.u32 s24, v1;
	v21, _, _ =	vpop (xrf0)  }
0xa8: {  	v44 =	vld [tilespmem:$0x1FFA0];
	s29 =	spop (v2sf);
	v14 =	vbroadcast v49, $0x0;
	v6 =	vadd.s32 v29, v6;
	(v2sf) =	vpush v21, $0xF;
	v22, _, _ =	vpop (xrf0)  }
0xa9: {  	s9 =	sadd.s32 s29, s9;
	v54 =	vadd.s32 $0xFFFFFFFF, v53;
	v29 =	vld [tilespmem:$0x1FFE0];
	(v2sf) =	vpush v22, $0xF;
	vm7 =	vnez.u8 v50  }
0xaa: {  	v47 =	vld [tilespmem:$0x1FF90];
	v55 =	vmov s9;
	[tilespmem:v11+s7+$0x0] =	vst.idx.msk vm5, v52;
	v56 =	vbroadcast v54, $0x0;
	v16 =	vsel vm7, $0x1, v2  }
0xab: {  	s26 =	sadd.s32 $0xFFFFFFD0, s5;
	v57 =	vadd.s32 $0xFFFFFFFF, v55;
	[tilespmem:v12+s8+$0x0] =	vst.idx.msk vm4, v52;
	(xrf0) =	vadd.scan.msk.s32 $0xffff, v16;
	v16 =	vsel vm0, $0x1, v2  }
0xac: {  	s31 =	spop (v2sf);
	v53 =	vld [tilespmem:$0x1FF70];
	vm14 =	vnez.u8 v38;
	vm4 =	vnez.u8 v41;
	v54 =	vor.u32 s26, v1;
	(xrf0) =	vadd.scan.msk.s32 $0xffff, v16  }
0xad: {  	s10 =	sadd.s32 s31, s10;
	v55 =	vld [tilespmem:$0x1FF60];
	v14 =	vadd.s32 v30, v14;
	v15 =	vbroadcast v57, $0x0;
	s16 =	spop (v2sf);
	vm11 =	vnez.u8 v27  }
0xae: {  	v58 =	vmov s10;
	v11 =	vadd.s32 v32, v56;
	s18 =	spop (v2sf);
	v56 =	vld [tilespmem:$0x1FF50];
	vm12 =	vnez.u8 v29  }
0xaf: {  	s14 =	sadd.s32 $0xFFFFFFA0, s5;
	vm5 =	vnez.u8 v44;
	s9 =	sadd.s32 s16, s9;
	vm6 =	vnez.u8 v47;
	v15 =	vadd.s32 v63, v15;
	s10 =	sadd.s32 s18, s10  }
0xb0: {  	[tilespmem:v18+s7+$0x0] =	vst.idx.msk vm3, v59;
	v63 =	vor.u32 s14, v1;
	v25 =	vmov s9;
	v28 =	vmov s10  }
0xb1: {  	[tilespmem:v8+s8+$0x0] =	vst.idx.msk vm2, v59;
	vm9 =	vnez.u8 v53;
	v16 =	vadd.s32 $0xFFFFFFFF, v58;
	v32 =	vadd.s32 $0xFFFFFFFF, v28;
	v61, _, _ =	vpop (xrf0)  }
0xb2: {  	v59 =	vld [tilespmem:$0x1FF40];
	[tilespmem:v13+s7+$0x0] =	vst.idx.msk vm1, v60;
	vm10 =	vnez.u8 v55;
	v16 =	vbroadcast v16, $0x0;
	s19 =	spop (v2sf);
	(v2sf) =	vpush v61, $0xF;
	v26, _, _ =	vpop (xrf0)  }
0xb3: {  	v35 =	vbroadcast v32, $0x0;
	[tilespmem:v20+s8+$0x0] =	vst.idx.msk vm11, v60;
	s9 =	sadd.s32 s19, s9;
	s20 =	spop (v2sf);
	vm11 =	vnez.u8 v56;
	(v2sf) =	vpush v26, $0xF  }
0xb4: {  	v60 =	vld [tilespmem:$0x1FF30];
	v24 =	vadd.s32 v33, v16;
	v16 =	vadd.s32 $0xFFFFFFFF, v25;
	s10 =	sadd.s32 s20, s10;
	v33 =	vmov s9;
	[tilespmem:v39+s7+$0x0] =	vst.idx.msk vm12, v62  }
0xb5: {  	s21 =	spop (v2sf);
	v30 =	vbroadcast v16, $0x0;
	v36 =	vadd.s32 $0xFFFFFFFF, v33;
	v37 =	vmov s10;
	[tilespmem:v5+s8+$0x0] =	vst.idx.msk vm13, v62;
	v62 =	vld [tilespmem:$0x1FF20]  }
0xb6: {  	v3 =	vadd.s32 v3, v35;
	s9 =	sadd.s32 s21, s9;
	v39 =	vbroadcast v36, $0x0;
	v40 =	vadd.s32 $0xFFFFFFFF, v37;
	[tilespmem:v43+s7+$0x0] =	vst.idx.msk vm14, v63  }
0xb7: {  	v46 =	vmov s9;
	vm12 =	vnez.u8 v59;
	v4 =	vadd.s32 v31, v30;
	[tilespmem:v7+s8+$0x0] =	vst.idx.msk vm4, v63;
	s23 =	spop (v2sf)  }
0xb8: {  	v49 =	vadd.s32 $0xFFFFFFFF, v46;
	v43 =	vbroadcast v40, $0x0;
	v9 =	vadd.s32 v10, v39;
	[tilespmem:v6+s7+$0x0] =	vst.idx.msk vm5, v42;
	s25 =	spop (v2sf);
	s10 =	sadd.s32 s23, s10  }
0xb9: {  	vm13 =	vnez.u8 v60;
	v7 =	vbroadcast v49, $0x0;
	[tilespmem:v14+s8+$0x0] =	vst.idx.msk vm6, v42;
	s9 =	sadd.s32 s25, s9;
	v50 =	vmov s10  }
0xba: {  	[tilespmem:v11+s7+$0x0] =	vst.idx.msk vm8, v45;
	vm14 =	vnez.u8 v62;
	v10 =	vadd.s32 $0xFFFFFFFF, v50;
	v52 =	vmov s9  }
0xbb: {  	v48 =	vadd.s32 v21, v43;
	[tilespmem:v15+s8+$0x0] =	vst.idx.msk vm9, v45;
	v10 =	vbroadcast v10, $0x0;
	v11 =	vadd.s32 $0xFFFFFFFF, v52  }
0xbc: {  	s28 =	sadd.s32 $0xFFFFFFE0, s5;
	v7 =	vadd.s32 v22, v7;
	[tilespmem:v24+s7+$0x0] =	vst.idx.msk vm10, v54;
	v11 =	vbroadcast v11, $0x0  }
0xbd: {  	v58 =	vor.u32 s28, v1;
	[tilespmem:v4+s8+$0x0] =	vst.idx.msk vm11, v54;
	v57 =	vadd.s32 v61, v10  }
0xbe: {  	s29 =	sadd.s32 $0xFFFFFFF0, s5;
	[tilespmem:v3+s7+$0x0] =	vst.idx.msk vm12, v58;
	v3 =	vadd.s32 v26, v11  }
.Ltmp4:
0xbf: {  	[tilespmem:v9+s8+$0x0] =	vst.idx.msk vm13, v58;
	v61 =	vor.u32 s29, v1;
	(pc) =	sbr.rel .LBB2_5-.Ltmp4, $4  }
0xc0: {  	[tilespmem:v48+s7+$0x0] =	vst.idx.msk vm14, v61  }
0xc1: {  	v63 =	vor.u32 s5, v1;
	[tilespmem:v7+s8+$0x0] =	vst.idx.msk vm15, v61;
	s30 =	spop (v2sf)  }
0xc2: {  	[tilespmem:v57+s7+$0x0] =	vst.idx.msk vm7, v63;
	s31 =	spop (v2sf)  }
0xc3: {  	[tilespmem:v3+s8+$0x0] =	vst.idx.msk vm0, v63;
	s10 =	sadd.s32 s30, s10;
	s9 =	sadd.s32 s31, s9  }
.LBB2_6:
0xc4: {  	s3 =	sadd.s32 s3, s4  }
0xc5: {  	s5 =	simm.s32 $0x80;
	s6 =	simm.s32 $0x400;
	s7 =	simm.s32 $0x1000  }
0xc6: {  	[hbm4b:s3+s5] =	stream.strided.scatter [tilespmem:s7], [sflag:$0x2], $0x1000, s6, s5, $0x38;
	[tilespmem:$0x3000] =	vst v63  }
0xc7: {  	s2 =	sadd.s32 s2, s4;
	s30 =	simm.s32 $0x2000;
	s31 =	simm.s32 $0x2  }
0xc8: {  	[hbm4b:s2+s5] =	stream.strided.scatter [tilespmem:s30], [sflag:$0x2], $0x1000, s6, s5, $0x38;
	[tilespmem:$0x3000] =	vst v63  }
0xc9: {  	_ =	swait.ge [sflag:s31], $0x1000  }
0xca: {  	[sflag:s31] =	ssyncset.done $0x0  }
0xcb: {  	[sflag:s31] =	ssyncadd.s32 $0xFFFFF000  }
0xcc: {  	_ =	swait.ge [sflag:s31], $0x1000  }
0xcd: {  	[sflag:s31] =	ssyncset.done $0x0  }
0xce: {  	[sflag:s31] =	ssyncadd.s32 $0xFFFFF000  }
0xcf: {  	_ =	sfence.sel $0x180000  }
0xd0: {  	[bflag:$0x0] =	sbarrier.arrive $0xFFFF  }
0xd1: {  	p0 =	sne.s32 s1, $0x0;
	_ =	strace $0x90000047  }
0xd2: {  	s0 =	sadd.s32 @!p0 $0x100000, s0;
	[bflag:$0x2] =	sbarrier.arrive $0xFFFF  }
0xd3: {  	[sflag:s0] =	ssyncadd.tile.s32 @!p0 $0x1;
	_ =	shalt  }
.Lfunc_end2:
_tile_overlayer_lowered:
.L_overlay_start_2:
0xd4: {  	(tag) =	ssettag $0x2  }
0xd5: {  	s0 =	rddreg [dreg:$0x0];
	s2 =	stileid.u32  }
0xd6: {  	s1 =	rddreg [dreg:$0x1];
	p0 =	sne.s32 s2, $0x0  }
0xd7: {  	s3 =	rddreg [dreg:$0x2];
	[bflag:$0x3] =	sbarrier.arrive $0xFFFF;
	s2 =	simm.s32 @!p0 $0x1C03  }
0xd8: {  	[timem:s3], [sflag:s2] =	dma.local @!p0 [hbm:s0], s1  }
0xd9: {  	s0 =	simm.s32 @!p0 $0x3  }
0xda: {  	_ =	swait.ge @!p0 [sflag:s0], s1  }
0xdb: {  	s1 =	ssub.s32 @!p0 $0x0, s1;
	[sflag:s0] =	ssyncset.done @!p0 $0x0  }
0xdc: {  	[sflag:s0] =	ssyncadd.s32 @!p0 s1  }
0xdd: {  	[bflag:$0x3] =	sbarrier.arrive $0xFFFF  }
0xde: {  	_ =	shalt  }

</sc_bundles>
